<compile_context>
chip_gen: v7x
topology: tpu7x:2x2x1
jax: 0.10.2.dev20260603
libtpu: 0.0.44.dev20260713+nightly
codegen_flags: <defaults>
</compile_context>

<pallas_src>
import functools

import jax
import jax.numpy as jnp
import numpy as np
from jax import lax
from jax.experimental import pallas as pl
from jax.experimental.pallas import tpu as pltpu
from jax.experimental.pallas import tpu_sc as plsc

NC = 2
NS = 16
NW = NC * NS
LANES = 16

C = 128
W = C // 2
K = 32
NG = 8
WPG = W // NG
NQ = NW // NG
SCN = 256

_HI = np.int32(-65536)


def _sc_gather_max(x1d, idx1d, n_pad):
    npq = n_pad // NQ
    nsc = npq // SCN
    tabw = n_pad * WPG
    tabp = tabw + 16
    qw = npq * K
    mesh = plsc.VectorSubcoreMesh(core_axis_name="c", subcore_axis_name="s")

    @functools.partial(
        pl.kernel,
        out_type=jax.ShapeDtypeStruct((NG * tabw,), jnp.int32),
        mesh=mesh,
        scratch_types=[
            pltpu.VMEM((tabp,), jnp.int32),
            pltpu.VMEM((SCN * K,), jnp.int32),
            pltpu.VMEM((SCN * WPG,), jnp.int32),
        ],
    )
    def k(x_hbm, idx_hbm, agg_hbm, tab_v, idx_v, out_v):
        wid = lax.axis_index("s") * NC + lax.axis_index("c")
        g = wid >> 2
        q = wid & 3
        pltpu.sync_copy(x_hbm.at[pl.ds(g * tabp, tabp)], tab_v)
        lane = lax.iota(jnp.int32, 16)
        low8 = lane < 8

        def node_acc(iv0, iv1, base_off):
            his = [None] * 4
            los = [None] * 4
            for j in range(LANES):
                for t, iv in ((0, iv0), (1, iv1)):
                    s = iv[j]
                    d = tab_v[pl.ds(s * WPG + base_off, LANES)]
                    a = (j & 1) * 2 + t
                    if his[a] is None:
                        his[a] = d
                        los[a] = d << 16
                    else:
                        his[a] = jnp.maximum(his[a], d)
                        los[a] = jnp.maximum(los[a], d << 16)
            hi = jnp.maximum(jnp.maximum(his[0], his[1]),
                             jnp.maximum(his[2], his[3]))
            lo = jnp.maximum(jnp.maximum(los[0], los[1]),
                             jnp.maximum(los[2], los[3]))
            return (hi & _HI) | lax.shift_right_logical(lo, 16)

        @pl.loop(0, nsc)
        def _sc(s):
            pltpu.sync_copy(
                idx_hbm.at[pl.ds(q * qw + s * (SCN * K), SCN * K)], idx_v)

            @pl.loop(0, SCN // 2)
            def _pair(m):
                ia0 = idx_v[pl.ds(m * (2 * K), LANES)]
                ia1 = idx_v[pl.ds(m * (2 * K) + 16, LANES)]
                ib0 = idx_v[pl.ds(m * (2 * K) + 32, LANES)]
                ib1 = idx_v[pl.ds(m * (2 * K) + 48, LANES)]
                wa = node_acc(ia0, ia1, 8)
                wb = node_acc(ib0, ib1, 0)
                out_v[pl.ds(m * (2 * WPG), LANES)] = jnp.where(low8, wa, wb)

            pltpu.sync_copy(
                out_v.at[pl.ds(0, SCN * WPG)],
                agg_hbm.at[pl.ds(g * tabw + q * npq * WPG + s * SCN * WPG,
                                 SCN * WPG)])

    return k(x1d, idx1d)


def _tc_conv(agg, w, b2, n):
    def body(agg_ref, w_ref, b_ref, out_ref):
        prod = lax.dot_general(
            w_ref[...], agg_ref[...].astype(jnp.float32),
            (((1,), (1,)), ((), ())), preferred_element_type=jnp.float32)
        out_ref[...] = jnp.maximum(prod + b_ref[...], 0.0)

    return pl.pallas_call(
        body,
        out_shape=jax.ShapeDtypeStruct((C, n), jnp.float32),
    )(agg[:n], w, b2)


def _key_xform(words_i32):
    u = lax.bitcast_convert_type(words_i32, jnp.uint32)
    m = ((u & np.uint32(0x80008000)) >> 15) * np.uint32(0x7FFF)
    return lax.bitcast_convert_type(u ^ m, jnp.int32)


def _encode_keys(x_flat, n_pad):
    words = lax.bitcast_convert_type(
        x_flat.astype(jnp.bfloat16).reshape(x_flat.shape[0], W, 2), jnp.int32)
    enc = _key_xform(words)
    return jnp.zeros((n_pad, W), jnp.int32).at[: x_flat.shape[0]].set(enc)


def _decode_keys(agg_words, n_pad):
    words = _key_xform(agg_words)
    return lax.bitcast_convert_type(
        words, jnp.bfloat16).reshape(n_pad, C)


def kernel(x, idx, conv_w, conv_b):
    B_, C_, N_ = x.shape
    n_pad = ((N_ + NQ * SCN - 1) // (NQ * SCN)) * (NQ * SCN)
    x_flat = jnp.transpose(x, (0, 2, 1)).reshape(N_ * B_, C_)
    x_packed = _encode_keys(x_flat, n_pad)
    x1d = jnp.transpose(
        x_packed.reshape(n_pad, NG, WPG), (1, 0, 2)).reshape(NG, n_pad * WPG)
    x1d = jnp.pad(x1d, ((0, 0), (8, 8))).reshape(-1)
    idx_pad = jnp.zeros((n_pad * K,), jnp.int32).at[: idx.shape[0]].set(idx)
    agg1d = _sc_gather_max(x1d, idx_pad, n_pad)
    agg_words = jnp.transpose(
        agg1d.reshape(NG, n_pad, WPG), (1, 0, 2)).reshape(n_pad, W)
    agg = _decode_keys(agg_words, n_pad)
    out = _tc_conv(agg, conv_w, conv_b.reshape(C_, 1), N_)
    return out.reshape(B_, conv_w.shape[0], N_)

# --- scband reference (transcript-rebuilt; emitter-appended) ---
"""Pipeline reference for scband-simple-graph-layer-2714419331079 (READ-ONLY COPY).

The authoritative reference and input builder live on the scoring server;
editing this copy changes nothing except your own understanding.
"""

import jax, jax.numpy as jnp
import numpy as np

B, C, N, K = 1, 128, 10000, 32
OUT = 128

def setup_inputs(seed: int = 0) -> dict:
    key = jax.random.key(seed)
    k1, k2, k3, k4 = jax.random.split(key, 4)
    x = jax.random.normal(k1, (B, C, N), dtype=jnp.float32)
    idx = jax.random.randint(k2, (B * N * K,), 0, B * N, dtype=jnp.int32)
    # Conv1d(in_channel, out_channel, kernel_size=1) == per-position linear layer
    fan_in = C * 1
    bound = 1.0 / np.sqrt(fan_in)
    conv_w = jax.random.uniform(k3, (OUT, C), dtype=jnp.float32, minval=-bound, maxval=bound)
    conv_b = jax.random.uniform(k4, (OUT,), dtype=jnp.float32, minval=-bound, maxval=bound)
    return {"x": x, "idx": idx, "conv_w": conv_w, "conv_b": conv_b}


def reference(x, idx, conv_w, conv_b):
    B_, C_, N_ = x.shape
    # x.permute(0, 2, 1).reshape(-1, C)
    x_flat = jnp.transpose(x, (0, 2, 1)).reshape(-1, C_)
    # neighbors = x_flattened[idx]  -> gather
    neighbors = jnp.take(x_flat, idx, axis=0)
    neighbors = neighbors.reshape(B_, N_, K, C_)
    # max over the k neighbors
    agg = jnp.max(neighbors, axis=2)            # (B, N, C)
    agg = jnp.transpose(agg, (0, 2, 1))          # (B, C, N)
    # 1x1 Conv1d: out[b, o, n] = sum_c w[o, c] * agg[b, c, n] + b[o]
    out = jnp.einsum('oc,bcn->bon', conv_w, agg) + conv_b[None, :, None]
    return jax.nn.relu(out)

if __name__ == "__main__":
    import jax
    _d = setup_inputs()
    print(jax.jit(kernel)(*tuple(_d.values())))

</pallas_src>

<mosaic_0001>
#map = affine_map<(d0, d1) -> (0)>
module attributes {stable_mosaic.version = 14 : i64} {
  func.func @k(%arg0: i32, %arg1: i32, %arg2: memref<655488xi32, #tpu.memory_space<hbm>>, %arg3: memref<327680xi32, #tpu.memory_space<hbm>>, %arg4: memref<655360xi32, #tpu.memory_space<hbm>>, %arg5: memref<81936xi32, #tpu.memory_space<vmem>>, %arg6: memref<8192xi32, #tpu.memory_space<vmem>>, %arg7: memref<2048xi32, #tpu.memory_space<vmem>>) attributes {dimension_semantics = [#tpu.dimension_semantics<core_parallel>, #tpu.dimension_semantics<subcore_parallel>], iteration_bounds = array<i64: 2, 16>, scalar_prefetch = 0 : i64, scratch_operands = 3 : i64, tpu.core_type = #tpu.core_type<sc_vector_subcore>, window_params = [{transform_indices = #map}, {transform_indices = #map}, {transform_indices = #map}]} {
    %mul3A = arith.constant 2 : i32
    %mul3A_0 = arith.muli %arg1, %mul3A : i32
    %add3A = arith.addi %mul3A_0, %arg0 : i32
    %shift_right_arithmetic3A = arith.constant 2 : i32
    %shift_right_arithmetic3A_1 = arith.shrsi %add3A, %shift_right_arithmetic3A : i32
    %and3A = arith.constant 3 : i32
    %and3A_2 = arith.andi %add3A, %and3A : i32
    %mul3A_3 = arith.constant 81936 : i32
    %mul3A_4 = arith.muli %shift_right_arithmetic3A_1, %mul3A_3 : i32
    "tpu.region"() ({
      %run_scoped3A = tpu.sem_alloc : memref<!tpu.dma_semaphore, #tpu.memory_space<semaphore_mem>>
      %dma_start3A = tpu.memref_slice %arg2[%mul3A_4] : memref<655488xi32, #tpu.memory_space<hbm>> -> memref<81936xi32, #tpu.memory_space<hbm>>
      %dma_start3A_11 = tpu.memref_slice %arg2[%mul3A_4] : memref<655488xi32, #tpu.memory_space<hbm>> -> memref<81936xi32, #tpu.memory_space<hbm>>
      tpu.enqueue_dma source(%dma_start3A_11 : memref<81936xi32, #tpu.memory_space<hbm>>) target(%arg5 : memref<81936xi32, #tpu.memory_space<vmem>>) target_semaphore(%run_scoped3A : memref<!tpu.dma_semaphore, #tpu.memory_space<semaphore_mem>>)
      %dma_wait3A = tpu.memref_slice %arg2[%mul3A_4] : memref<655488xi32, #tpu.memory_space<hbm>> -> memref<81936xi32, #tpu.memory_space<hbm>>
      %dma_wait3A_12 = tpu.memref_slice %arg2[%mul3A_4] : memref<655488xi32, #tpu.memory_space<hbm>> -> memref<81936xi32, #tpu.memory_space<hbm>>
      tpu.wait_dma2 semaphore(%run_scoped3A : memref<!tpu.dma_semaphore, #tpu.memory_space<semaphore_mem>>) src(%dma_wait3A_12 : memref<81936xi32, #tpu.memory_space<hbm>>) dst(%arg5 : memref<81936xi32, #tpu.memory_space<vmem>>)
      tpu.yield
    }) : () -> ()
    %iota3A = tpu.iota {dimensions = array<i32: 0>} : vector<16xi32>
    %lt3A = arith.constant 8 : i32
    %lt3A_5 = vector.broadcast %lt3A : i32 to vector<16xi32>
    %lt3A_6 = arith.cmpi slt, %iota3A, %lt3A_5 : vector<16xi32>
    %scan3A = arith.constant 0 : i32
    %scan3A_7 = arith.constant 10 : i32
    %scan3A_8 = arith.addi %scan3A, %scan3A_7 : i32
    %scan3A_9 = arith.constant 1 : i32
    scf.for %scan3A_11 = %scan3A to %scan3A_8 step %scan3A_9  : i32 {
      %mul3A_12 = arith.constant 1 : i32
      %mul3A_13 = arith.muli %scan3A_11, %mul3A_12 : i32
      %add3A_14 = arith.constant 0 : i32
      %add3A_15 = arith.addi %add3A_14, %mul3A_13 : i32
      %mul3A_16 = arith.constant 81920 : i32
      %mul3A_17 = arith.muli %and3A_2, %mul3A_16 : i32
      %mul3A_18 = arith.constant 8192 : i32
      %mul3A_19 = arith.muli %add3A_15, %mul3A_18 : i32
      %add3A_20 = arith.addi %mul3A_17, %mul3A_19 : i32
      "tpu.region"() ({
        %run_scoped3A = tpu.sem_alloc : memref<!tpu.dma_semaphore, #tpu.memory_space<semaphore_mem>>
        %dma_start3A = tpu.memref_slice %arg3[%add3A_20] : memref<327680xi32, #tpu.memory_space<hbm>> -> memref<8192xi32, #tpu.memory_space<hbm>>
        %dma_start3A_38 = tpu.memref_slice %arg3[%add3A_20] : memref<327680xi32, #tpu.memory_space<hbm>> -> memref<8192xi32, #tpu.memory_space<hbm>>
        tpu.enqueue_dma source(%dma_start3A_38 : memref<8192xi32, #tpu.memory_space<hbm>>) target(%arg6 : memref<8192xi32, #tpu.memory_space<vmem>>) target_semaphore(%run_scoped3A : memref<!tpu.dma_semaphore, #tpu.memory_space<semaphore_mem>>)
        %dma_wait3A = tpu.memref_slice %arg3[%add3A_20] : memref<327680xi32, #tpu.memory_space<hbm>> -> memref<8192xi32, #tpu.memory_space<hbm>>
        %dma_wait3A_39 = tpu.memref_slice %arg3[%add3A_20] : memref<327680xi32, #tpu.memory_space<hbm>> -> memref<8192xi32, #tpu.memory_space<hbm>>
        tpu.wait_dma2 semaphore(%run_scoped3A : memref<!tpu.dma_semaphore, #tpu.memory_space<semaphore_mem>>) src(%dma_wait3A_39 : memref<8192xi32, #tpu.memory_space<hbm>>) dst(%arg6 : memref<8192xi32, #tpu.memory_space<vmem>>)
        tpu.yield
      }) : () -> ()
      %scan3A_21 = arith.constant 0 : i32
      %scan3A_22 = arith.constant 128 : i32
      %scan3A_23 = arith.addi %scan3A_21, %scan3A_22 : i32
      %scan3A_24 = arith.constant 1 : i32
      scf.for %scan3A_38 = %scan3A_21 to %scan3A_23 step %scan3A_24  : i32 {
        %mul3A_39 = arith.constant 1 : i32
        %mul3A_40 = arith.muli %scan3A_38, %mul3A_39 : i32
        %add3A_41 = arith.constant 0 : i32
        %add3A_42 = arith.addi %add3A_41, %mul3A_40 : i32
        %mul3A_43 = arith.constant 64 : i32
        %mul3A_44 = arith.muli %add3A_42, %mul3A_43 : i32
        %get3A = arith.index_cast %mul3A_44 : i32 to index
        %get3A_45 = tpu.vector_load %arg6[%get3A] {strides = array<i32>} : memref<8192xi32, #tpu.memory_space<vmem>>, vector<16xi32>,
        %get3A_46 = vector.shape_cast %get3A_45 : vector<16xi32> to vector<16xi32>
        %mul3A_47 = arith.constant 64 : i32
        %mul3A_48 = arith.muli %add3A_42, %mul3A_47 : i32
        %add3A_49 = arith.constant 16 : i32
        %add3A_50 = arith.addi %mul3A_48, %add3A_49 : i32
        %get3A_51 = arith.index_cast %add3A_50 : i32 to index
        %get3A_52 = tpu.vector_load %arg6[%get3A_51] {strides = array<i32>} : memref<8192xi32, #tpu.memory_space<vmem>>, vector<16xi32>,
        %get3A_53 = vector.shape_cast %get3A_52 : vector<16xi32> to vector<16xi32>
        %mul3A_54 = arith.constant 64 : i32
        %mul3A_55 = arith.muli %add3A_42, %mul3A_54 : i32
        %add3A_56 = arith.constant 32 : i32
        %add3A_57 = arith.addi %mul3A_55, %add3A_56 : i32
        %get3A_58 = arith.index_cast %add3A_57 : i32 to index
        %get3A_59 = tpu.vector_load %arg6[%get3A_58] {strides = array<i32>} : memref<8192xi32, #tpu.memory_space<vmem>>, vector<16xi32>,
        %get3A_60 = vector.shape_cast %get3A_59 : vector<16xi32> to vector<16xi32>
        %mul3A_61 = arith.constant 64 : i32
        %mul3A_62 = arith.muli %add3A_42, %mul3A_61 : i32
        %add3A_63 = arith.constant 48 : i32
        %add3A_64 = arith.addi %mul3A_62, %add3A_63 : i32
        %get3A_65 = arith.index_cast %add3A_64 : i32 to index
        %get3A_66 = tpu.vector_load %arg6[%get3A_65] {strides = array<i32>} : memref<8192xi32, #tpu.memory_space<vmem>>, vector<16xi32>,
        %get3A_67 = vector.shape_cast %get3A_66 : vector<16xi32> to vector<16xi32>
        %slice3A = vector.extract_strided_slice %get3A_46 {offsets = [0], sizes = [1], strides = [1]} : vector<16xi32> to vector<1xi32>
        %squeeze3A = vector.extract %slice3A[0] : i32 from vector<1xi32>
        %mul3A_68 = arith.constant 8 : i32
        %mul3A_69 = arith.muli %squeeze3A, %mul3A_68 : i32
        %add3A_70 = arith.constant 8 : i32
        %add3A_71 = arith.addi %mul3A_69, %add3A_70 : i32
        %get3A_72 = arith.index_cast %add3A_71 : i32 to index
        %get3A_73 = tpu.vector_load %arg5[%get3A_72] {strides = array<i32>} : memref<81936xi32, #tpu.memory_space<vmem>>, vector<16xi32>,
        %get3A_74 = vector.shape_cast %get3A_73 : vector<16xi32> to vector<16xi32>
        %shift_left3A = arith.constant 16 : i32
        %shift_left3A_75 = vector.broadcast %shift_left3A : i32 to vector<16xi32>
        %shift_left3A_76 = arith.shli %get3A_74, %shift_left3A_75 : vector<16xi32>
        %slice3A_77 = vector.extract_strided_slice %get3A_53 {offsets = [0], sizes = [1], strides = [1]} : vector<16xi32> to vector<1xi32>
        %squeeze3A_78 = vector.extract %slice3A_77[0] : i32 from vector<1xi32>
        %mul3A_79 = arith.constant 8 : i32
        %mul3A_80 = arith.muli %squeeze3A_78, %mul3A_79 : i32
        %add3A_81 = arith.constant 8 : i32
        %add3A_82 = arith.addi %mul3A_80, %add3A_81 : i32
        %get3A_83 = arith.index_cast %add3A_82 : i32 to index
        %get3A_84 = tpu.vector_load %arg5[%get3A_83] {strides = array<i32>} : memref<81936xi32, #tpu.memory_space<vmem>>, vector<16xi32>,
        %get3A_85 = vector.shape_cast %get3A_84 : vector<16xi32> to vector<16xi32>
        %shift_left3A_86 = arith.constant 16 : i32
        %shift_left3A_87 = vector.broadcast %shift_left3A_86 : i32 to vector<16xi32>
        %shift_left3A_88 = arith.shli %get3A_85, %shift_left3A_87 : vector<16xi32>
        %slice3A_89 = vector.extract_strided_slice %get3A_46 {offsets = [1], sizes = [1], strides = [1]} : vector<16xi32> to vector<1xi32>
        %squeeze3A_90 = vector.extract %slice3A_89[0] : i32 from vector<1xi32>
        %mul3A_91 = arith.constant 8 : i32
        %mul3A_92 = arith.muli %squeeze3A_90, %mul3A_91 : i32
        %add3A_93 = arith.constant 8 : i32
        %add3A_94 = arith.addi %mul3A_92, %add3A_93 : i32
        %get3A_95 = arith.index_cast %add3A_94 : i32 to index
        %get3A_96 = tpu.vector_load %arg5[%get3A_95] {strides = array<i32>} : memref<81936xi32, #tpu.memory_space<vmem>>, vector<16xi32>,
        %get3A_97 = vector.shape_cast %get3A_96 : vector<16xi32> to vector<16xi32>
        %shift_left3A_98 = arith.constant 16 : i32
        %shift_left3A_99 = vector.broadcast %shift_left3A_98 : i32 to vector<16xi32>
        %shift_left3A_100 = arith.shli %get3A_97, %shift_left3A_99 : vector<16xi32>
        %slice3A_101 = vector.extract_strided_slice %get3A_53 {offsets = [1], sizes = [1], strides = [1]} : vector<16xi32> to vector<1xi32>
        %squeeze3A_102 = vector.extract %slice3A_101[0] : i32 from vector<1xi32>
        %mul3A_103 = arith.constant 8 : i32
        %mul3A_104 = arith.muli %squeeze3A_102, %mul3A_103 : i32
        %add3A_105 = arith.constant 8 : i32
        %add3A_106 = arith.addi %mul3A_104, %add3A_105 : i32
        %get3A_107 = arith.index_cast %add3A_106 : i32 to index
        %get3A_108 = tpu.vector_load %arg5[%get3A_107] {strides = array<i32>} : memref<81936xi32, #tpu.memory_space<vmem>>, vector<16xi32>,
        %get3A_109 = vector.shape_cast %get3A_108 : vector<16xi32> to vector<16xi32>
        %shift_left3A_110 = arith.constant 16 : i32
        %shift_left3A_111 = vector.broadcast %shift_left3A_110 : i32 to vector<16xi32>
        %shift_left3A_112 = arith.shli %get3A_109, %shift_left3A_111 : vector<16xi32>
        %slice3A_113 = vector.extract_strided_slice %get3A_46 {offsets = [2], sizes = [1], strides = [1]} : vector<16xi32> to vector<1xi32>
        %squeeze3A_114 = vector.extract %slice3A_113[0] : i32 from vector<1xi32>
        %mul3A_115 = arith.constant 8 : i32
        %mul3A_116 = arith.muli %squeeze3A_114, %mul3A_115 : i32
        %add3A_117 = arith.constant 8 : i32
        %add3A_118 = arith.addi %mul3A_116, %add3A_117 : i32
        %get3A_119 = arith.index_cast %add3A_118 : i32 to index
        %get3A_120 = tpu.vector_load %arg5[%get3A_119] {strides = array<i32>} : memref<81936xi32, #tpu.memory_space<vmem>>, vector<16xi32>,
        %get3A_121 = vector.shape_cast %get3A_120 : vector<16xi32> to vector<16xi32>
        %max3A = arith.maxsi %get3A_74, %get3A_121 : vector<16xi32>
        %shift_left3A_122 = arith.constant 16 : i32
        %shift_left3A_123 = vector.broadcast %shift_left3A_122 : i32 to vector<16xi32>
        %shift_left3A_124 = arith.shli %get3A_121, %shift_left3A_123 : vector<16xi32>
        %max3A_125 = arith.maxsi %shift_left3A_76, %shift_left3A_124 : vector<16xi32>
        %slice3A_126 = vector.extract_strided_slice %get3A_53 {offsets = [2], sizes = [1], strides = [1]} : vector<16xi32> to vector<1xi32>
        %squeeze3A_127 = vector.extract %slice3A_126[0] : i32 from vector<1xi32>
        %mul3A_128 = arith.constant 8 : i32
        %mul3A_129 = arith.muli %squeeze3A_127, %mul3A_128 : i32
        %add3A_130 = arith.constant 8 : i32
        %add3A_131 = arith.addi %mul3A_129, %add3A_130 : i32
        %get3A_132 = arith.index_cast %add3A_131 : i32 to index
        %get3A_133 = tpu.vector_load %arg5[%get3A_132] {strides = array<i32>} : memref<81936xi32, #tpu.memory_space<vmem>>, vector<16xi32>,
        %get3A_134 = vector.shape_cast %get3A_133 : vector<16xi32> to vector<16xi32>
        %max3A_135 = arith.maxsi %get3A_85, %get3A_134 : vector<16xi32>
        %shift_left3A_136 = arith.constant 16 : i32
        %shift_left3A_137 = vector.broadcast %shift_left3A_136 : i32 to vector<16xi32>
        %shift_left3A_138 = arith.shli %get3A_134, %shift_left3A_137 : vector<16xi32>
        %max3A_139 = arith.maxsi %shift_left3A_88, %shift_left3A_138 : vector<16xi32>
        %slice3A_140 = vector.extract_strided_slice %get3A_46 {offsets = [3], sizes = [1], strides = [1]} : vector<16xi32> to vector<1xi32>
        %squeeze3A_141 = vector.extract %slice3A_140[0] : i32 from vector<1xi32>
        %mul3A_142 = arith.constant 8 : i32
        %mul3A_143 = arith.muli %squeeze3A_141, %mul3A_142 : i32
        %add3A_144 = arith.constant 8 : i32
        %add3A_145 = arith.addi %mul3A_143, %add3A_144 : i32
        %get3A_146 = arith.index_cast %add3A_145 : i32 to index
        %get3A_147 = tpu.vector_load %arg5[%get3A_146] {strides = array<i32>} : memref<81936xi32, #tpu.memory_space<vmem>>, vector<16xi32>,
        %get3A_148 = vector.shape_cast %get3A_147 : vector<16xi32> to vector<16xi32>
        %max3A_149 = arith.maxsi %get3A_97, %get3A_148 : vector<16xi32>
        %shift_left3A_150 = arith.constant 16 : i32
        %shift_left3A_151 = vector.broadcast %shift_left3A_150 : i32 to vector<16xi32>
        %shift_left3A_152 = arith.shli %get3A_148, %shift_left3A_151 : vector<16xi32>
        %max3A_153 = arith.maxsi %shift_left3A_100, %shift_left3A_152 : vector<16xi32>
        %slice3A_154 = vector.extract_strided_slice %get3A_53 {offsets = [3], sizes = [1], strides = [1]} : vector<16xi32> to vector<1xi32>
        %squeeze3A_155 = vector.extract %slice3A_154[0] : i32 from vector<1xi32>
        %mul3A_156 = arith.constant 8 : i32
        %mul3A_157 = arith.muli %squeeze3A_155, %mul3A_156 : i32
        %add3A_158 = arith.constant 8 : i32
        %add3A_159 = arith.addi %mul3A_157, %add3A_158 : i32
        %get3A_160 = arith.index_cast %add3A_159 : i32 to index
        %get3A_161 = tpu.vector_load %arg5[%get3A_160] {strides = array<i32>} : memref<81936xi32, #tpu.memory_space<vmem>>, vector<16xi32>,
        %get3A_162 = vector.shape_cast %get3A_161 : vector<16xi32> to vector<16xi32>
        %max3A_163 = arith.maxsi %get3A_109, %get3A_162 : vector<16xi32>
        %shift_left3A_164 = arith.constant 16 : i32
        %shift_left3A_165 = vector.broadcast %shift_left3A_164 : i32 to vector<16xi32>
        %shift_left3A_166 = arith.shli %get3A_162, %shift_left3A_165 : vector<16xi32>
        %max3A_167 = arith.maxsi %shift_left3A_112, %shift_left3A_166 : vector<16xi32>
        %slice3A_168 = vector.extract_strided_slice %get3A_46 {offsets = [4], sizes = [1], strides = [1]} : vector<16xi32> to vector<1xi32>
        %squeeze3A_169 = vector.extract %slice3A_168[0] : i32 from vector<1xi32>
        %mul3A_170 = arith.constant 8 : i32
        %mul3A_171 = arith.muli %squeeze3A_169, %mul3A_170 : i32
        %add3A_172 = arith.constant 8 : i32
        %add3A_173 = arith.addi %mul3A_171, %add3A_172 : i32
        %get3A_174 = arith.index_cast %add3A_173 : i32 to index
        %get3A_175 = tpu.vector_load %arg5[%get3A_174] {strides = array<i32>} : memref<81936xi32, #tpu.memory_space<vmem>>, vector<16xi32>,
        %get3A_176 = vector.shape_cast %get3A_175 : vector<16xi32> to vector<16xi32>
        %max3A_177 = arith.maxsi %max3A, %get3A_176 : vector<16xi32>
        %shift_left3A_178 = arith.constant 16 : i32
        %shift_left3A_179 = vector.broadcast %shift_left3A_178 : i32 to vector<16xi32>
        %shift_left3A_180 = arith.shli %get3A_176, %shift_left3A_179 : vector<16xi32>
        %max3A_181 = arith.maxsi %max3A_125, %shift_left3A_180 : vector<16xi32>
        %slice3A_182 = vector.extract_strided_slice %get3A_53 {offsets = [4], sizes = [1], strides = [1]} : vector<16xi32> to vector<1xi32>
        %squeeze3A_183 = vector.extract %slice3A_182[0] : i32 from vector<1xi32>
        %mul3A_184 = arith.constant 8 : i32
        %mul3A_185 = arith.muli %squeeze3A_183, %mul3A_184 : i32
        %add3A_186 = arith.constant 8 : i32
        %add3A_187 = arith.addi %mul3A_185, %add3A_186 : i32
        %get3A_188 = arith.index_cast %add3A_187 : i32 to index
        %get3A_189 = tpu.vector_load %arg5[%get3A_188] {strides = array<i32>} : memref<81936xi32, #tpu.memory_space<vmem>>, vector<16xi32>,
        %get3A_190 = vector.shape_cast %get3A_189 : vector<16xi32> to vector<16xi32>
        %max3A_191 = arith.maxsi %max3A_135, %get3A_190 : vector<16xi32>
        %shift_left3A_192 = arith.constant 16 : i32
        %shift_left3A_193 = vector.broadcast %shift_left3A_192 : i32 to vector<16xi32>
        %shift_left3A_194 = arith.shli %get3A_190, %shift_left3A_193 : vector<16xi32>
        %max3A_195 = arith.maxsi %max3A_139, %shift_left3A_194 : vector<16xi32>
        %slice3A_196 = vector.extract_strided_slice %get3A_46 {offsets = [5], sizes = [1], strides = [1]} : vector<16xi32> to vector<1xi32>
        %squeeze3A_197 = vector.extract %slice3A_196[0] : i32 from vector<1xi32>
        %mul3A_198 = arith.constant 8 : i32
        %mul3A_199 = arith.muli %squeeze3A_197, %mul3A_198 : i32
        %add3A_200 = arith.constant 8 : i32
        %add3A_201 = arith.addi %mul3A_199, %add3A_200 : i32
        %get3A_202 = arith.index_cast %add3A_201 : i32 to index
        %get3A_203 = tpu.vector_load %arg5[%get3A_202] {strides = array<i32>} : memref<81936xi32, #tpu.memory_space<vmem>>, vector<16xi32>,
        %get3A_204 = vector.shape_cast %get3A_203 : vector<16xi32> to vector<16xi32>
        %max3A_205 = arith.maxsi %max3A_149, %get3A_204 : vector<16xi32>
        %shift_left3A_206 = arith.constant 16 : i32
        %shift_left3A_207 = vector.broadcast %shift_left3A_206 : i32 to vector<16xi32>
        %shift_left3A_208 = arith.shli %get3A_204, %shift_left3A_207 : vector<16xi32>
        %max3A_209 = arith.maxsi %max3A_153, %shift_left3A_208 : vector<16xi32>
        %slice3A_210 = vector.extract_strided_slice %get3A_53 {offsets = [5], sizes = [1], strides = [1]} : vector<16xi32> to vector<1xi32>
        %squeeze3A_211 = vector.extract %slice3A_210[0] : i32 from vector<1xi32>
        %mul3A_212 = arith.constant 8 : i32
        %mul3A_213 = arith.muli %squeeze3A_211, %mul3A_212 : i32
        %add3A_214 = arith.constant 8 : i32
        %add3A_215 = arith.addi %mul3A_213, %add3A_214 : i32
        %get3A_216 = arith.index_cast %add3A_215 : i32 to index
        %get3A_217 = tpu.vector_load %arg5[%get3A_216] {strides = array<i32>} : memref<81936xi32, #tpu.memory_space<vmem>>, vector<16xi32>,
        %get3A_218 = vector.shape_cast %get3A_217 : vector<16xi32> to vector<16xi32>
        %max3A_219 = arith.maxsi %max3A_163, %get3A_218 : vector<16xi32>
        %shift_left3A_220 = arith.constant 16 : i32
        %shift_left3A_221 = vector.broadcast %shift_left3A_220 : i32 to vector<16xi32>
        %shift_left3A_222 = arith.shli %get3A_218, %shift_left3A_221 : vector<16xi32>
        %max3A_223 = arith.maxsi %max3A_167, %shift_left3A_222 : vector<16xi32>
        %slice3A_224 = vector.extract_strided_slice %get3A_46 {offsets = [6], sizes = [1], strides = [1]} : vector<16xi32> to vector<1xi32>
        %squeeze3A_225 = vector.extract %slice3A_224[0] : i32 from vector<1xi32>
        %mul3A_226 = arith.constant 8 : i32
        %mul3A_227 = arith.muli %squeeze3A_225, %mul3A_226 : i32
        %add3A_228 = arith.constant 8 : i32
        %add3A_229 = arith.addi %mul3A_227, %add3A_228 : i32
        %get3A_230 = arith.index_cast %add3A_229 : i32 to index
        %get3A_231 = tpu.vector_load %arg5[%get3A_230] {strides = array<i32>} : memref<81936xi32, #tpu.memory_space<vmem>>, vector<16xi32>,
        %get3A_232 = vector.shape_cast %get3A_231 : vector<16xi32> to vector<16xi32>
        %max3A_233 = arith.maxsi %max3A_177, %get3A_232 : vector<16xi32>
        %shift_left3A_234 = arith.constant 16 : i32
        %shift_left3A_235 = vector.broadcast %shift_left3A_234 : i32 to vector<16xi32>
        %shift_left3A_236 = arith.shli %get3A_232, %shift_left3A_235 : vector<16xi32>
        %max3A_237 = arith.maxsi %max3A_181, %shift_left3A_236 : vector<16xi32>
        %slice3A_238 = vector.extract_strided_slice %get3A_53 {offsets = [6], sizes = [1], strides = [1]} : vector<16xi32> to vector<1xi32>
        %squeeze3A_239 = vector.extract %slice3A_238[0] : i32 from vector<1xi32>
        %mul3A_240 = arith.constant 8 : i32
        %mul3A_241 = arith.muli %squeeze3A_239, %mul3A_240 : i32
        %add3A_242 = arith.constant 8 : i32
        %add3A_243 = arith.addi %mul3A_241, %add3A_242 : i32
        %get3A_244 = arith.index_cast %add3A_243 : i32 to index
        %get3A_245 = tpu.vector_load %arg5[%get3A_244] {strides = array<i32>} : memref<81936xi32, #tpu.memory_space<vmem>>, vector<16xi32>,
        %get3A_246 = vector.shape_cast %get3A_245 : vector<16xi32> to vector<16xi32>
        %max3A_247 = arith.maxsi %max3A_191, %get3A_246 : vector<16xi32>
        %shift_left3A_248 = arith.constant 16 : i32
        %shift_left3A_249 = vector.broadcast %shift_left3A_248 : i32 to vector<16xi32>
        %shift_left3A_250 = arith.shli %get3A_246, %shift_left3A_249 : vector<16xi32>
        %max3A_251 = arith.maxsi %max3A_195, %shift_left3A_250 : vector<16xi32>
        %slice3A_252 = vector.extract_strided_slice %get3A_46 {offsets = [7], sizes = [1], strides = [1]} : vector<16xi32> to vector<1xi32>
        %squeeze3A_253 = vector.extract %slice3A_252[0] : i32 from vector<1xi32>
        %mul3A_254 = arith.constant 8 : i32
        %mul3A_255 = arith.muli %squeeze3A_253, %mul3A_254 : i32
        %add3A_256 = arith.constant 8 : i32
        %add3A_257 = arith.addi %mul3A_255, %add3A_256 : i32
        %get3A_258 = arith.index_cast %add3A_257 : i32 to index
        %get3A_259 = tpu.vector_load %arg5[%get3A_258] {strides = array<i32>} : memref<81936xi32, #tpu.memory_space<vmem>>, vector<16xi32>,
        %get3A_260 = vector.shape_cast %get3A_259 : vector<16xi32> to vector<16xi32>
        %max3A_261 = arith.maxsi %max3A_205, %get3A_260 : vector<16xi32>
        %shift_left3A_262 = arith.constant 16 : i32
        %shift_left3A_263 = vector.broadcast %shift_left3A_262 : i32 to vector<16xi32>
        %shift_left3A_264 = arith.shli %get3A_260, %shift_left3A_263 : vector<16xi32>
        %max3A_265 = arith.maxsi %max3A_209, %shift_left3A_264 : vector<16xi32>
        %slice3A_266 = vector.extract_strided_slice %get3A_53 {offsets = [7], sizes = [1], strides = [1]} : vector<16xi32> to vector<1xi32>
        %squeeze3A_267 = vector.extract %slice3A_266[0] : i32 from vector<1xi32>
        %mul3A_268 = arith.constant 8 : i32
        %mul3A_269 = arith.muli %squeeze3A_267, %mul3A_268 : i32
        %add3A_270 = arith.constant 8 : i32
        %add3A_271 = arith.addi %mul3A_269, %add3A_270 : i32
        %get3A_272 = arith.index_cast %add3A_271 : i32 to index
        %get3A_273 = tpu.vector_load %arg5[%get3A_272] {strides = array<i32>} : memref<81936xi32, #tpu.memory_space<vmem>>, vector<16xi32>,
        %get3A_274 = vector.shape_cast %get3A_273 : vector<16xi32> to vector<16xi32>
        %max3A_275 = arith.maxsi %max3A_219, %get3A_274 : vector<16xi32>
        %shift_left3A_276 = arith.constant 16 : i32
        %shift_left3A_277 = vector.broadcast %shift_left3A_276 : i32 to vector<16xi32>
        %shift_left3A_278 = arith.shli %get3A_274, %shift_left3A_277 : vector<16xi32>
        %max3A_279 = arith.maxsi %max3A_223, %shift_left3A_278 : vector<16xi32>
        %slice3A_280 = vector.extract_strided_slice %get3A_46 {offsets = [8], sizes = [1], strides = [1]} : vector<16xi32> to vector<1xi32>
        %squeeze3A_281 = vector.extract %slice3A_280[0] : i32 from vector<1xi32>
        %mul3A_282 = arith.constant 8 : i32
        %mul3A_283 = arith.muli %squeeze3A_281, %mul3A_282 : i32
        %add3A_284 = arith.constant 8 : i32
        %add3A_285 = arith.addi %mul3A_283, %add3A_284 : i32
        %get3A_286 = arith.index_cast %add3A_285 : i32 to index
        %get3A_287 = tpu.vector_load %arg5[%get3A_286] {strides = array<i32>} : memref<81936xi32, #tpu.memory_space<vmem>>, vector<16xi32>,
        %get3A_288 = vector.shape_cast %get3A_287 : vector<16xi32> to vector<16xi32>
        %max3A_289 = arith.maxsi %max3A_233, %get3A_288 : vector<16xi32>
        %shift_left3A_290 = arith.constant 16 : i32
        %shift_left3A_291 = vector.broadcast %shift_left3A_290 : i32 to vector<16xi32>
        %shift_left3A_292 = arith.shli %get3A_288, %shift_left3A_291 : vector<16xi32>
        %max3A_293 = arith.maxsi %max3A_237, %shift_left3A_292 : vector<16xi32>
        %slice3A_294 = vector.extract_strided_slice %get3A_53 {offsets = [8], sizes = [1], strides = [1]} : vector<16xi32> to vector<1xi32>
        %squeeze3A_295 = vector.extract %slice3A_294[0] : i32 from vector<1xi32>
        %mul3A_296 = arith.constant 8 : i32
        %mul3A_297 = arith.muli %squeeze3A_295, %mul3A_296 : i32
        %add3A_298 = arith.constant 8 : i32
        %add3A_299 = arith.addi %mul3A_297, %add3A_298 : i32
        %get3A_300 = arith.index_cast %add3A_299 : i32 to index
        %get3A_301 = tpu.vector_load %arg5[%get3A_300] {strides = array<i32>} : memref<81936xi32, #tpu.memory_space<vmem>>, vector<16xi32>,
        %get3A_302 = vector.shape_cast %get3A_301 : vector<16xi32> to vector<16xi32>
        %max3A_303 = arith.maxsi %max3A_247, %get3A_302 : vector<16xi32>
        %shift_left3A_304 = arith.constant 16 : i32
        %shift_left3A_305 = vector.broadcast %shift_left3A_304 : i32 to vector<16xi32>
        %shift_left3A_306 = arith.shli %get3A_302, %shift_left3A_305 : vector<16xi32>
        %max3A_307 = arith.maxsi %max3A_251, %shift_left3A_306 : vector<16xi32>
        %slice3A_308 = vector.extract_strided_slice %get3A_46 {offsets = [9], sizes = [1], strides = [1]} : vector<16xi32> to vector<1xi32>
        %squeeze3A_309 = vector.extract %slice3A_308[0] : i32 from vector<1xi32>
        %mul3A_310 = arith.constant 8 : i32
        %mul3A_311 = arith.muli %squeeze3A_309, %mul3A_310 : i32
        %add3A_312 = arith.constant 8 : i32
        %add3A_313 = arith.addi %mul3A_311, %add3A_312 : i32
        %get3A_314 = arith.index_cast %add3A_313 : i32 to index
        %get3A_315 = tpu.vector_load %arg5[%get3A_314] {strides = array<i32>} : memref<81936xi32, #tpu.memory_space<vmem>>, vector<16xi32>,
        %get3A_316 = vector.shape_cast %get3A_315 : vector<16xi32> to vector<16xi32>
        %max3A_317 = arith.maxsi %max3A_261, %get3A_316 : vector<16xi32>
        %shift_left3A_318 = arith.constant 16 : i32
        %shift_left3A_319 = vector.broadcast %shift_left3A_318 : i32 to vector<16xi32>
        %shift_left3A_320 = arith.shli %get3A_316, %shift_left3A_319 : vector<16xi32>
        %max3A_321 = arith.maxsi %max3A_265, %shift_left3A_320 : vector<16xi32>
        %slice3A_322 = vector.extract_strided_slice %get3A_53 {offsets = [9], sizes = [1], strides = [1]} : vector<16xi32> to vector<1xi32>
        %squeeze3A_323 = vector.extract %slice3A_322[0] : i32 from vector<1xi32>
        %mul3A_324 = arith.constant 8 : i32
        %mul3A_325 = arith.muli %squeeze3A_323, %mul3A_324 : i32
        %add3A_326 = arith.constant 8 : i32
        %add3A_327 = arith.addi %mul3A_325, %add3A_326 : i32
        %get3A_328 = arith.index_cast %add3A_327 : i32 to index
        %get3A_329 = tpu.vector_load %arg5[%get3A_328] {strides = array<i32>} : memref<81936xi32, #tpu.memory_space<vmem>>, vector<16xi32>,
        %get3A_330 = vector.shape_cast %get3A_329 : vector<16xi32> to vector<16xi32>
        %max3A_331 = arith.maxsi %max3A_275, %get3A_330 : vector<16xi32>
        %shift_left3A_332 = arith.constant 16 : i32
        %shift_left3A_333 = vector.broadcast %shift_left3A_332 : i32 to vector<16xi32>
        %shift_left3A_334 = arith.shli %get3A_330, %shift_left3A_333 : vector<16xi32>
        %max3A_335 = arith.maxsi %max3A_279, %shift_left3A_334 : vector<16xi32>
        %slice3A_336 = vector.extract_strided_slice %get3A_46 {offsets = [10], sizes = [1], strides = [1]} : vector<16xi32> to vector<1xi32>
        %squeeze3A_337 = vector.extract %slice3A_336[0] : i32 from vector<1xi32>
        %mul3A_338 = arith.constant 8 : i32
        %mul3A_339 = arith.muli %squeeze3A_337, %mul3A_338 : i32
        %add3A_340 = arith.constant 8 : i32
        %add3A_341 = arith.addi %mul3A_339, %add3A_340 : i32
        %get3A_342 = arith.index_cast %add3A_341 : i32 to index
        %get3A_343 = tpu.vector_load %arg5[%get3A_342] {strides = array<i32>} : memref<81936xi32, #tpu.memory_space<vmem>>, vector<16xi32>,
        %get3A_344 = vector.shape_cast %get3A_343 : vector<16xi32> to vector<16xi32>
        %max3A_345 = arith.maxsi %max3A_289, %get3A_344 : vector<16xi32>
        %shift_left3A_346 = arith.constant 16 : i32
        %shift_left3A_347 = vector.broadcast %shift_left3A_346 : i32 to vector<16xi32>
        %shift_left3A_348 = arith.shli %get3A_344, %shift_left3A_347 : vector<16xi32>
        %max3A_349 = arith.maxsi %max3A_293, %shift_left3A_348 : vector<16xi32>
        %slice3A_350 = vector.extract_strided_slice %get3A_53 {offsets = [10], sizes = [1], strides = [1]} : vector<16xi32> to vector<1xi32>
        %squeeze3A_351 = vector.extract %slice3A_350[0] : i32 from vector<1xi32>
        %mul3A_352 = arith.constant 8 : i32
        %mul3A_353 = arith.muli %squeeze3A_351, %mul3A_352 : i32
        %add3A_354 = arith.constant 8 : i32
        %add3A_355 = arith.addi %mul3A_353, %add3A_354 : i32
        %get3A_356 = arith.index_cast %add3A_355 : i32 to index
        %get3A_357 = tpu.vector_load %arg5[%get3A_356] {strides = array<i32>} : memref<81936xi32, #tpu.memory_space<vmem>>, vector<16xi32>,
        %get3A_358 = vector.shape_cast %get3A_357 : vector<16xi32> to vector<16xi32>
        %max3A_359 = arith.maxsi %max3A_303, %get3A_358 : vector<16xi32>
        %shift_left3A_360 = arith.constant 16 : i32
        %shift_left3A_361 = vector.broadcast %shift_left3A_360 : i32 to vector<16xi32>
        %shift_left3A_362 = arith.shli %get3A_358, %shift_left3A_361 : vector<16xi32>
        %max3A_363 = arith.maxsi %max3A_307, %shift_left3A_362 : vector<16xi32>
        %slice3A_364 = vector.extract_strided_slice %get3A_46 {offsets = [11], sizes = [1], strides = [1]} : vector<16xi32> to vector<1xi32>
        %squeeze3A_365 = vector.extract %slice3A_364[0] : i32 from vector<1xi32>
        %mul3A_366 = arith.constant 8 : i32
        %mul3A_367 = arith.muli %squeeze3A_365, %mul3A_366 : i32
        %add3A_368 = arith.constant 8 : i32
        %add3A_369 = arith.addi %mul3A_367, %add3A_368 : i32
        %get3A_370 = arith.index_cast %add3A_369 : i32 to index
        %get3A_371 = tpu.vector_load %arg5[%get3A_370] {strides = array<i32>} : memref<81936xi32, #tpu.memory_space<vmem>>, vector<16xi32>,
        %get3A_372 = vector.shape_cast %get3A_371 : vector<16xi32> to vector<16xi32>
        %max3A_373 = arith.maxsi %max3A_317, %get3A_372 : vector<16xi32>
        %shift_left3A_374 = arith.constant 16 : i32
        %shift_left3A_375 = vector.broadcast %shift_left3A_374 : i32 to vector<16xi32>
        %shift_left3A_376 = arith.shli %get3A_372, %shift_left3A_375 : vector<16xi32>
        %max3A_377 = arith.maxsi %max3A_321, %shift_left3A_376 : vector<16xi32>
        %slice3A_378 = vector.extract_strided_slice %get3A_53 {offsets = [11], sizes = [1], strides = [1]} : vector<16xi32> to vector<1xi32>
        %squeeze3A_379 = vector.extract %slice3A_378[0] : i32 from vector<1xi32>
        %mul3A_380 = arith.constant 8 : i32
        %mul3A_381 = arith.muli %squeeze3A_379, %mul3A_380 : i32
        %add3A_382 = arith.constant 8 : i32
        %add3A_383 = arith.addi %mul3A_381, %add3A_382 : i32
        %get3A_384 = arith.index_cast %add3A_383 : i32 to index
        %get3A_385 = tpu.vector_load %arg5[%get3A_384] {strides = array<i32>} : memref<81936xi32, #tpu.memory_space<vmem>>, vector<16xi32>,
        %get3A_386 = vector.shape_cast %get3A_385 : vector<16xi32> to vector<16xi32>
        %max3A_387 = arith.maxsi %max3A_331, %get3A_386 : vector<16xi32>
        %shift_left3A_388 = arith.constant 16 : i32
        %shift_left3A_389 = vector.broadcast %shift_left3A_388 : i32 to vector<16xi32>
        %shift_left3A_390 = arith.shli %get3A_386, %shift_left3A_389 : vector<16xi32>
        %max3A_391 = arith.maxsi %max3A_335, %shift_left3A_390 : vector<16xi32>
        %slice3A_392 = vector.extract_strided_slice %get3A_46 {offsets = [12], sizes = [1], strides = [1]} : vector<16xi32> to vector<1xi32>
        %squeeze3A_393 = vector.extract %slice3A_392[0] : i32 from vector<1xi32>
        %mul3A_394 = arith.constant 8 : i32
        %mul3A_395 = arith.muli %squeeze3A_393, %mul3A_394 : i32
        %add3A_396 = arith.constant 8 : i32
        %add3A_397 = arith.addi %mul3A_395, %add3A_396 : i32
        %get3A_398 = arith.index_cast %add3A_397 : i32 to index
        %get3A_399 = tpu.vector_load %arg5[%get3A_398] {strides = array<i32>} : memref<81936xi32, #tpu.memory_space<vmem>>, vector<16xi32>,
        %get3A_400 = vector.shape_cast %get3A_399 : vector<16xi32> to vector<16xi32>
        %max3A_401 = arith.maxsi %max3A_345, %get3A_400 : vector<16xi32>
        %shift_left3A_402 = arith.constant 16 : i32
        %shift_left3A_403 = vector.broadcast %shift_left3A_402 : i32 to vector<16xi32>
        %shift_left3A_404 = arith.shli %get3A_400, %shift_left3A_403 : vector<16xi32>
        %max3A_405 = arith.maxsi %max3A_349, %shift_left3A_404 : vector<16xi32>
        %slice3A_406 = vector.extract_strided_slice %get3A_53 {offsets = [12], sizes = [1], strides = [1]} : vector<16xi32> to vector<1xi32>
        %squeeze3A_407 = vector.extract %slice3A_406[0] : i32 from vector<1xi32>
        %mul3A_408 = arith.constant 8 : i32
        %mul3A_409 = arith.muli %squeeze3A_407, %mul3A_408 : i32
        %add3A_410 = arith.constant 8 : i32
        %add3A_411 = arith.addi %mul3A_409, %add3A_410 : i32
        %get3A_412 = arith.index_cast %add3A_411 : i32 to index
        %get3A_413 = tpu.vector_load %arg5[%get3A_412] {strides = array<i32>} : memref<81936xi32, #tpu.memory_space<vmem>>, vector<16xi32>,
        %get3A_414 = vector.shape_cast %get3A_413 : vector<16xi32> to vector<16xi32>
        %max3A_415 = arith.maxsi %max3A_359, %get3A_414 : vector<16xi32>
        %shift_left3A_416 = arith.constant 16 : i32
        %shift_left3A_417 = vector.broadcast %shift_left3A_416 : i32 to vector<16xi32>
        %shift_left3A_418 = arith.shli %get3A_414, %shift_left3A_417 : vector<16xi32>
        %max3A_419 = arith.maxsi %max3A_363, %shift_left3A_418 : vector<16xi32>
        %slice3A_420 = vector.extract_strided_slice %get3A_46 {offsets = [13], sizes = [1], strides = [1]} : vector<16xi32> to vector<1xi32>
        %squeeze3A_421 = vector.extract %slice3A_420[0] : i32 from vector<1xi32>
        %mul3A_422 = arith.constant 8 : i32
        %mul3A_423 = arith.muli %squeeze3A_421, %mul3A_422 : i32
        %add3A_424 = arith.constant 8 : i32
        %add3A_425 = arith.addi %mul3A_423, %add3A_424 : i32
        %get3A_426 = arith.index_cast %add3A_425 : i32 to index
        %get3A_427 = tpu.vector_load %arg5[%get3A_426] {strides = array<i32>} : memref<81936xi32, #tpu.memory_space<vmem>>, vector<16xi32>,
        %get3A_428 = vector.shape_cast %get3A_427 : vector<16xi32> to vector<16xi32>
        %max3A_429 = arith.maxsi %max3A_373, %get3A_428 : vector<16xi32>
        %shift_left3A_430 = arith.constant 16 : i32
        %shift_left3A_431 = vector.broadcast %shift_left3A_430 : i32 to vector<16xi32>
        %shift_left3A_432 = arith.shli %get3A_428, %shift_left3A_431 : vector<16xi32>
        %max3A_433 = arith.maxsi %max3A_377, %shift_left3A_432 : vector<16xi32>
        %slice3A_434 = vector.extract_strided_slice %get3A_53 {offsets = [13], sizes = [1], strides = [1]} : vector<16xi32> to vector<1xi32>
        %squeeze3A_435 = vector.extract %slice3A_434[0] : i32 from vector<1xi32>
        %mul3A_436 = arith.constant 8 : i32
        %mul3A_437 = arith.muli %squeeze3A_435, %mul3A_436 : i32
        %add3A_438 = arith.constant 8 : i32
        %add3A_439 = arith.addi %mul3A_437, %add3A_438 : i32
        %get3A_440 = arith.index_cast %add3A_439 : i32 to index
        %get3A_441 = tpu.vector_load %arg5[%get3A_440] {strides = array<i32>} : memref<81936xi32, #tpu.memory_space<vmem>>, vector<16xi32>,
        %get3A_442 = vector.shape_cast %get3A_441 : vector<16xi32> to vector<16xi32>
        %max3A_443 = arith.maxsi %max3A_387, %get3A_442 : vector<16xi32>
        %shift_left3A_444 = arith.constant 16 : i32
        %shift_left3A_445 = vector.broadcast %shift_left3A_444 : i32 to vector<16xi32>
        %shift_left3A_446 = arith.shli %get3A_442, %shift_left3A_445 : vector<16xi32>
        %max3A_447 = arith.maxsi %max3A_391, %shift_left3A_446 : vector<16xi32>
        %slice3A_448 = vector.extract_strided_slice %get3A_46 {offsets = [14], sizes = [1], strides = [1]} : vector<16xi32> to vector<1xi32>
        %squeeze3A_449 = vector.extract %slice3A_448[0] : i32 from vector<1xi32>
        %mul3A_450 = arith.constant 8 : i32
        %mul3A_451 = arith.muli %squeeze3A_449, %mul3A_450 : i32
        %add3A_452 = arith.constant 8 : i32
        %add3A_453 = arith.addi %mul3A_451, %add3A_452 : i32
        %get3A_454 = arith.index_cast %add3A_453 : i32 to index
        %get3A_455 = tpu.vector_load %arg5[%get3A_454] {strides = array<i32>} : memref<81936xi32, #tpu.memory_space<vmem>>, vector<16xi32>,
        %get3A_456 = vector.shape_cast %get3A_455 : vector<16xi32> to vector<16xi32>
        %max3A_457 = arith.maxsi %max3A_401, %get3A_456 : vector<16xi32>
        %shift_left3A_458 = arith.constant 16 : i32
        %shift_left3A_459 = vector.broadcast %shift_left3A_458 : i32 to vector<16xi32>
        %shift_left3A_460 = arith.shli %get3A_456, %shift_left3A_459 : vector<16xi32>
        %max3A_461 = arith.maxsi %max3A_405, %shift_left3A_460 : vector<16xi32>
        %slice3A_462 = vector.extract_strided_slice %get3A_53 {offsets = [14], sizes = [1], strides = [1]} : vector<16xi32> to vector<1xi32>
        %squeeze3A_463 = vector.extract %slice3A_462[0] : i32 from vector<1xi32>
        %mul3A_464 = arith.constant 8 : i32
        %mul3A_465 = arith.muli %squeeze3A_463, %mul3A_464 : i32
        %add3A_466 = arith.constant 8 : i32
        %add3A_467 = arith.addi %mul3A_465, %add3A_466 : i32
        %get3A_468 = arith.index_cast %add3A_467 : i32 to index
        %get3A_469 = tpu.vector_load %arg5[%get3A_468] {strides = array<i32>} : memref<81936xi32, #tpu.memory_space<vmem>>, vector<16xi32>,
        %get3A_470 = vector.shape_cast %get3A_469 : vector<16xi32> to vector<16xi32>
        %max3A_471 = arith.maxsi %max3A_415, %get3A_470 : vector<16xi32>
        %shift_left3A_472 = arith.constant 16 : i32
        %shift_left3A_473 = vector.broadcast %shift_left3A_472 : i32 to vector<16xi32>
        %shift_left3A_474 = arith.shli %get3A_470, %shift_left3A_473 : vector<16xi32>
        %max3A_475 = arith.maxsi %max3A_419, %shift_left3A_474 : vector<16xi32>
        %slice3A_476 = vector.extract_strided_slice %get3A_46 {offsets = [15], sizes = [1], strides = [1]} : vector<16xi32> to vector<1xi32>
        %squeeze3A_477 = vector.extract %slice3A_476[0] : i32 from vector<1xi32>
        %mul3A_478 = arith.constant 8 : i32
        %mul3A_479 = arith.muli %squeeze3A_477, %mul3A_478 : i32
        %add3A_480 = arith.constant 8 : i32
        %add3A_481 = arith.addi %mul3A_479, %add3A_480 : i32
        %get3A_482 = arith.index_cast %add3A_481 : i32 to index
        %get3A_483 = tpu.vector_load %arg5[%get3A_482] {strides = array<i32>} : memref<81936xi32, #tpu.memory_space<vmem>>, vector<16xi32>,
        %get3A_484 = vector.shape_cast %get3A_483 : vector<16xi32> to vector<16xi32>
        %max3A_485 = arith.maxsi %max3A_429, %get3A_484 : vector<16xi32>
        %shift_left3A_486 = arith.constant 16 : i32
        %shift_left3A_487 = vector.broadcast %shift_left3A_486 : i32 to vector<16xi32>
        %shift_left3A_488 = arith.shli %get3A_484, %shift_left3A_487 : vector<16xi32>
        %max3A_489 = arith.maxsi %max3A_433, %shift_left3A_488 : vector<16xi32>
        %slice3A_490 = vector.extract_strided_slice %get3A_53 {offsets = [15], sizes = [1], strides = [1]} : vector<16xi32> to vector<1xi32>
        %squeeze3A_491 = vector.extract %slice3A_490[0] : i32 from vector<1xi32>
        %mul3A_492 = arith.constant 8 : i32
        %mul3A_493 = arith.muli %squeeze3A_491, %mul3A_492 : i32
        %add3A_494 = arith.constant 8 : i32
        %add3A_495 = arith.addi %mul3A_493, %add3A_494 : i32
        %get3A_496 = arith.index_cast %add3A_495 : i32 to index
        %get3A_497 = tpu.vector_load %arg5[%get3A_496] {strides = array<i32>} : memref<81936xi32, #tpu.memory_space<vmem>>, vector<16xi32>,
        %get3A_498 = vector.shape_cast %get3A_497 : vector<16xi32> to vector<16xi32>
        %max3A_499 = arith.maxsi %max3A_443, %get3A_498 : vector<16xi32>
        %shift_left3A_500 = arith.constant 16 : i32
        %shift_left3A_501 = vector.broadcast %shift_left3A_500 : i32 to vector<16xi32>
        %shift_left3A_502 = arith.shli %get3A_498, %shift_left3A_501 : vector<16xi32>
        %max3A_503 = arith.maxsi %max3A_447, %shift_left3A_502 : vector<16xi32>
        %max3A_504 = arith.maxsi %max3A_457, %max3A_471 : vector<16xi32>
        %max3A_505 = arith.maxsi %max3A_485, %max3A_499 : vector<16xi32>
        %max3A_506 = arith.maxsi %max3A_504, %max3A_505 : vector<16xi32>
        %max3A_507 = arith.maxsi %max3A_461, %max3A_475 : vector<16xi32>
        %max3A_508 = arith.maxsi %max3A_489, %max3A_503 : vector<16xi32>
        %max3A_509 = arith.maxsi %max3A_507, %max3A_508 : vector<16xi32>
        %and3A_510 = arith.constant -65536 : i32
        %and3A_511 = vector.broadcast %and3A_510 : i32 to vector<16xi32>
        %and3A_512 = arith.andi %max3A_506, %and3A_511 : vector<16xi32>
        %shift_right_logical3A = arith.constant 16 : i32
        %shift_right_logical3A_513 = vector.broadcast %shift_right_logical3A : i32 to vector<16xi32>
        %shift_right_logical3A_514 = arith.shrui %max3A_509, %shift_right_logical3A_513 : vector<16xi32>
        %or3A = arith.ori %and3A_512, %shift_right_logical3A_514 : vector<16xi32>
        %slice3A_515 = vector.extract_strided_slice %get3A_60 {offsets = [0], sizes = [1], strides = [1]} : vector<16xi32> to vector<1xi32>
        %squeeze3A_516 = vector.extract %slice3A_515[0] : i32 from vector<1xi32>
        %mul3A_517 = arith.constant 8 : i32
        %mul3A_518 = arith.muli %squeeze3A_516, %mul3A_517 : i32
        %add3A_519 = arith.constant 0 : i32
        %add3A_520 = arith.addi %mul3A_518, %add3A_519 : i32
        %get3A_521 = arith.index_cast %add3A_520 : i32 to index
        %get3A_522 = tpu.vector_load %arg5[%get3A_521] {strides = array<i32>} : memref<81936xi32, #tpu.memory_space<vmem>>, vector<16xi32>,
        %get3A_523 = vector.shape_cast %get3A_522 : vector<16xi32> to vector<16xi32>
        %shift_left3A_524 = arith.constant 16 : i32
        %shift_left3A_525 = vector.broadcast %shift_left3A_524 : i32 to vector<16xi32>
        %shift_left3A_526 = arith.shli %get3A_523, %shift_left3A_525 : vector<16xi32>
        %slice3A_527 = vector.extract_strided_slice %get3A_67 {offsets = [0], sizes = [1], strides = [1]} : vector<16xi32> to vector<1xi32>
        %squeeze3A_528 = vector.extract %slice3A_527[0] : i32 from vector<1xi32>
        %mul3A_529 = arith.constant 8 : i32
        %mul3A_530 = arith.muli %squeeze3A_528, %mul3A_529 : i32
        %add3A_531 = arith.constant 0 : i32
        %add3A_532 = arith.addi %mul3A_530, %add3A_531 : i32
        %get3A_533 = arith.index_cast %add3A_532 : i32 to index
        %get3A_534 = tpu.vector_load %arg5[%get3A_533] {strides = array<i32>} : memref<81936xi32, #tpu.memory_space<vmem>>, vector<16xi32>,
        %get3A_535 = vector.shape_cast %get3A_534 : vector<16xi32> to vector<16xi32>
        %shift_left3A_536 = arith.constant 16 : i32
        %shift_left3A_537 = vector.broadcast %shift_left3A_536 : i32 to vector<16xi32>
        %shift_left3A_538 = arith.shli %get3A_535, %shift_left3A_537 : vector<16xi32>
        %slice3A_539 = vector.extract_strided_slice %get3A_60 {offsets = [1], sizes = [1], strides = [1]} : vector<16xi32> to vector<1xi32>
        %squeeze3A_540 = vector.extract %slice3A_539[0] : i32 from vector<1xi32>
        %mul3A_541 = arith.constant 8 : i32
        %mul3A_542 = arith.muli %squeeze3A_540, %mul3A_541 : i32
        %add3A_543 = arith.constant 0 : i32
        %add3A_544 = arith.addi %mul3A_542, %add3A_543 : i32
        %get3A_545 = arith.index_cast %add3A_544 : i32 to index
        %get3A_546 = tpu.vector_load %arg5[%get3A_545] {strides = array<i32>} : memref<81936xi32, #tpu.memory_space<vmem>>, vector<16xi32>,
        %get3A_547 = vector.shape_cast %get3A_546 : vector<16xi32> to vector<16xi32>
        %shift_left3A_548 = arith.constant 16 : i32
        %shift_left3A_549 = vector.broadcast %shift_left3A_548 : i32 to vector<16xi32>
        %shift_left3A_550 = arith.shli %get3A_547, %shift_left3A_549 : vector<16xi32>
        %slice3A_551 = vector.extract_strided_slice %get3A_67 {offsets = [1], sizes = [1], strides = [1]} : vector<16xi32> to vector<1xi32>
        %squeeze3A_552 = vector.extract %slice3A_551[0] : i32 from vector<1xi32>
        %mul3A_553 = arith.constant 8 : i32
        %mul3A_554 = arith.muli %squeeze3A_552, %mul3A_553 : i32
        %add3A_555 = arith.constant 0 : i32
        %add3A_556 = arith.addi %mul3A_554, %add3A_555 : i32
        %get3A_557 = arith.index_cast %add3A_556 : i32 to index
        %get3A_558 = tpu.vector_load %arg5[%get3A_557] {strides = array<i32>} : memref<81936xi32, #tpu.memory_space<vmem>>, vector<16xi32>,
        %get3A_559 = vector.shape_cast %get3A_558 : vector<16xi32> to vector<16xi32>
        %shift_left3A_560 = arith.constant 16 : i32
        %shift_left3A_561 = vector.broadcast %shift_left3A_560 : i32 to vector<16xi32>
        %shift_left3A_562 = arith.shli %get3A_559, %shift_left3A_561 : vector<16xi32>
        %slice3A_563 = vector.extract_strided_slice %get3A_60 {offsets = [2], sizes = [1], strides = [1]} : vector<16xi32> to vector<1xi32>
        %squeeze3A_564 = vector.extract %slice3A_563[0] : i32 from vector<1xi32>
        %mul3A_565 = arith.constant 8 : i32
        %mul3A_566 = arith.muli %squeeze3A_564, %mul3A_565 : i32
        %add3A_567 = arith.constant 0 : i32
        %add3A_568 = arith.addi %mul3A_566, %add3A_567 : i32
        %get3A_569 = arith.index_cast %add3A_568 : i32 to index
        %get3A_570 = tpu.vector_load %arg5[%get3A_569] {strides = array<i32>} : memref<81936xi32, #tpu.memory_space<vmem>>, vector<16xi32>,
        %get3A_571 = vector.shape_cast %get3A_570 : vector<16xi32> to vector<16xi32>
        %max3A_572 = arith.maxsi %get3A_523, %get3A_571 : vector<16xi32>
        %shift_left3A_573 = arith.constant 16 : i32
        %shift_left3A_574 = vector.broadcast %shift_left3A_573 : i32 to vector<16xi32>
        %shift_left3A_575 = arith.shli %get3A_571, %shift_left3A_574 : vector<16xi32>
        %max3A_576 = arith.maxsi %shift_left3A_526, %shift_left3A_575 : vector<16xi32>
        %slice3A_577 = vector.extract_strided_slice %get3A_67 {offsets = [2], sizes = [1], strides = [1]} : vector<16xi32> to vector<1xi32>
        %squeeze3A_578 = vector.extract %slice3A_577[0] : i32 from vector<1xi32>
        %mul3A_579 = arith.constant 8 : i32
        %mul3A_580 = arith.muli %squeeze3A_578, %mul3A_579 : i32
        %add3A_581 = arith.constant 0 : i32
        %add3A_582 = arith.addi %mul3A_580, %add3A_581 : i32
        %get3A_583 = arith.index_cast %add3A_582 : i32 to index
        %get3A_584 = tpu.vector_load %arg5[%get3A_583] {strides = array<i32>} : memref<81936xi32, #tpu.memory_space<vmem>>, vector<16xi32>,
        %get3A_585 = vector.shape_cast %get3A_584 : vector<16xi32> to vector<16xi32>
        %max3A_586 = arith.maxsi %get3A_535, %get3A_585 : vector<16xi32>
        %shift_left3A_587 = arith.constant 16 : i32
        %shift_left3A_588 = vector.broadcast %shift_left3A_587 : i32 to vector<16xi32>
        %shift_left3A_589 = arith.shli %get3A_585, %shift_left3A_588 : vector<16xi32>
        %max3A_590 = arith.maxsi %shift_left3A_538, %shift_left3A_589 : vector<16xi32>
        %slice3A_591 = vector.extract_strided_slice %get3A_60 {offsets = [3], sizes = [1], strides = [1]} : vector<16xi32> to vector<1xi32>
        %squeeze3A_592 = vector.extract %slice3A_591[0] : i32 from vector<1xi32>
        %mul3A_593 = arith.constant 8 : i32
        %mul3A_594 = arith.muli %squeeze3A_592, %mul3A_593 : i32
        %add3A_595 = arith.constant 0 : i32
        %add3A_596 = arith.addi %mul3A_594, %add3A_595 : i32
        %get3A_597 = arith.index_cast %add3A_596 : i32 to index
        %get3A_598 = tpu.vector_load %arg5[%get3A_597] {strides = array<i32>} : memref<81936xi32, #tpu.memory_space<vmem>>, vector<16xi32>,
        %get3A_599 = vector.shape_cast %get3A_598 : vector<16xi32> to vector<16xi32>
        %max3A_600 = arith.maxsi %get3A_547, %get3A_599 : vector<16xi32>
        %shift_left3A_601 = arith.constant 16 : i32
        %shift_left3A_602 = vector.broadcast %shift_left3A_601 : i32 to vector<16xi32>
        %shift_left3A_603 = arith.shli %get3A_599, %shift_left3A_602 : vector<16xi32>
        %max3A_604 = arith.maxsi %shift_left3A_550, %shift_left3A_603 : vector<16xi32>
        %slice3A_605 = vector.extract_strided_slice %get3A_67 {offsets = [3], sizes = [1], strides = [1]} : vector<16xi32> to vector<1xi32>
        %squeeze3A_606 = vector.extract %slice3A_605[0] : i32 from vector<1xi32>
        %mul3A_607 = arith.constant 8 : i32
        %mul3A_608 = arith.muli %squeeze3A_606, %mul3A_607 : i32
        %add3A_609 = arith.constant 0 : i32
        %add3A_610 = arith.addi %mul3A_608, %add3A_609 : i32
        %get3A_611 = arith.index_cast %add3A_610 : i32 to index
        %get3A_612 = tpu.vector_load %arg5[%get3A_611] {strides = array<i32>} : memref<81936xi32, #tpu.memory_space<vmem>>, vector<16xi32>,
        %get3A_613 = vector.shape_cast %get3A_612 : vector<16xi32> to vector<16xi32>
        %max3A_614 = arith.maxsi %get3A_559, %get3A_613 : vector<16xi32>
        %shift_left3A_615 = arith.constant 16 : i32
        %shift_left3A_616 = vector.broadcast %shift_left3A_615 : i32 to vector<16xi32>
        %shift_left3A_617 = arith.shli %get3A_613, %shift_left3A_616 : vector<16xi32>
        %max3A_618 = arith.maxsi %shift_left3A_562, %shift_left3A_617 : vector<16xi32>
        %slice3A_619 = vector.extract_strided_slice %get3A_60 {offsets = [4], sizes = [1], strides = [1]} : vector<16xi32> to vector<1xi32>
        %squeeze3A_620 = vector.extract %slice3A_619[0] : i32 from vector<1xi32>
        %mul3A_621 = arith.constant 8 : i32
        %mul3A_622 = arith.muli %squeeze3A_620, %mul3A_621 : i32
        %add3A_623 = arith.constant 0 : i32
        %add3A_624 = arith.addi %mul3A_622, %add3A_623 : i32
        %get3A_625 = arith.index_cast %add3A_624 : i32 to index
        %get3A_626 = tpu.vector_load %arg5[%get3A_625] {strides = array<i32>} : memref<81936xi32, #tpu.memory_space<vmem>>, vector<16xi32>,
        %get3A_627 = vector.shape_cast %get3A_626 : vector<16xi32> to vector<16xi32>
        %max3A_628 = arith.maxsi %max3A_572, %get3A_627 : vector<16xi32>
        %shift_left3A_629 = arith.constant 16 : i32
        %shift_left3A_630 = vector.broadcast %shift_left3A_629 : i32 to vector<16xi32>
        %shift_left3A_631 = arith.shli %get3A_627, %shift_left3A_630 : vector<16xi32>
        %max3A_632 = arith.maxsi %max3A_576, %shift_left3A_631 : vector<16xi32>
        %slice3A_633 = vector.extract_strided_slice %get3A_67 {offsets = [4], sizes = [1], strides = [1]} : vector<16xi32> to vector<1xi32>
        %squeeze3A_634 = vector.extract %slice3A_633[0] : i32 from vector<1xi32>
        %mul3A_635 = arith.constant 8 : i32
        %mul3A_636 = arith.muli %squeeze3A_634, %mul3A_635 : i32
        %add3A_637 = arith.constant 0 : i32
        %add3A_638 = arith.addi %mul3A_636, %add3A_637 : i32
        %get3A_639 = arith.index_cast %add3A_638 : i32 to index
        %get3A_640 = tpu.vector_load %arg5[%get3A_639] {strides = array<i32>} : memref<81936xi32, #tpu.memory_space<vmem>>, vector<16xi32>,
        %get3A_641 = vector.shape_cast %get3A_640 : vector<16xi32> to vector<16xi32>
        %max3A_642 = arith.maxsi %max3A_586, %get3A_641 : vector<16xi32>
        %shift_left3A_643 = arith.constant 16 : i32
        %shift_left3A_644 = vector.broadcast %shift_left3A_643 : i32 to vector<16xi32>
        %shift_left3A_645 = arith.shli %get3A_641, %shift_left3A_644 : vector<16xi32>
        %max3A_646 = arith.maxsi %max3A_590, %shift_left3A_645 : vector<16xi32>
        %slice3A_647 = vector.extract_strided_slice %get3A_60 {offsets = [5], sizes = [1], strides = [1]} : vector<16xi32> to vector<1xi32>
        %squeeze3A_648 = vector.extract %slice3A_647[0] : i32 from vector<1xi32>
        %mul3A_649 = arith.constant 8 : i32
        %mul3A_650 = arith.muli %squeeze3A_648, %mul3A_649 : i32
        %add3A_651 = arith.constant 0 : i32
        %add3A_652 = arith.addi %mul3A_650, %add3A_651 : i32
        %get3A_653 = arith.index_cast %add3A_652 : i32 to index
        %get3A_654 = tpu.vector_load %arg5[%get3A_653] {strides = array<i32>} : memref<81936xi32, #tpu.memory_space<vmem>>, vector<16xi32>,
        %get3A_655 = vector.shape_cast %get3A_654 : vector<16xi32> to vector<16xi32>
        %max3A_656 = arith.maxsi %max3A_600, %get3A_655 : vector<16xi32>
        %shift_left3A_657 = arith.constant 16 : i32
        %shift_left3A_658 = vector.broadcast %shift_left3A_657 : i32 to vector<16xi32>
        %shift_left3A_659 = arith.shli %get3A_655, %shift_left3A_658 : vector<16xi32>
        %max3A_660 = arith.maxsi %max3A_604, %shift_left3A_659 : vector<16xi32>
        %slice3A_661 = vector.extract_strided_slice %get3A_67 {offsets = [5], sizes = [1], strides = [1]} : vector<16xi32> to vector<1xi32>
        %squeeze3A_662 = vector.extract %slice3A_661[0] : i32 from vector<1xi32>
        %mul3A_663 = arith.constant 8 : i32
        %mul3A_664 = arith.muli %squeeze3A_662, %mul3A_663 : i32
        %add3A_665 = arith.constant 0 : i32
        %add3A_666 = arith.addi %mul3A_664, %add3A_665 : i32
        %get3A_667 = arith.index_cast %add3A_666 : i32 to index
        %get3A_668 = tpu.vector_load %arg5[%get3A_667] {strides = array<i32>} : memref<81936xi32, #tpu.memory_space<vmem>>, vector<16xi32>,
        %get3A_669 = vector.shape_cast %get3A_668 : vector<16xi32> to vector<16xi32>
        %max3A_670 = arith.maxsi %max3A_614, %get3A_669 : vector<16xi32>
        %shift_left3A_671 = arith.constant 16 : i32
        %shift_left3A_672 = vector.broadcast %shift_left3A_671 : i32 to vector<16xi32>
        %shift_left3A_673 = arith.shli %get3A_669, %shift_left3A_672 : vector<16xi32>
        %max3A_674 = arith.maxsi %max3A_618, %shift_left3A_673 : vector<16xi32>
        %slice3A_675 = vector.extract_strided_slice %get3A_60 {offsets = [6], sizes = [1], strides = [1]} : vector<16xi32> to vector<1xi32>
        %squeeze3A_676 = vector.extract %slice3A_675[0] : i32 from vector<1xi32>
        %mul3A_677 = arith.constant 8 : i32
        %mul3A_678 = arith.muli %squeeze3A_676, %mul3A_677 : i32
        %add3A_679 = arith.constant 0 : i32
        %add3A_680 = arith.addi %mul3A_678, %add3A_679 : i32
        %get3A_681 = arith.index_cast %add3A_680 : i32 to index
        %get3A_682 = tpu.vector_load %arg5[%get3A_681] {strides = array<i32>} : memref<81936xi32, #tpu.memory_space<vmem>>, vector<16xi32>,
        %get3A_683 = vector.shape_cast %get3A_682 : vector<16xi32> to vector<16xi32>
        %max3A_684 = arith.maxsi %max3A_628, %get3A_683 : vector<16xi32>
        %shift_left3A_685 = arith.constant 16 : i32
        %shift_left3A_686 = vector.broadcast %shift_left3A_685 : i32 to vector<16xi32>
        %shift_left3A_687 = arith.shli %get3A_683, %shift_left3A_686 : vector<16xi32>
        %max3A_688 = arith.maxsi %max3A_632, %shift_left3A_687 : vector<16xi32>
        %slice3A_689 = vector.extract_strided_slice %get3A_67 {offsets = [6], sizes = [1], strides = [1]} : vector<16xi32> to vector<1xi32>
        %squeeze3A_690 = vector.extract %slice3A_689[0] : i32 from vector<1xi32>
        %mul3A_691 = arith.constant 8 : i32
        %mul3A_692 = arith.muli %squeeze3A_690, %mul3A_691 : i32
        %add3A_693 = arith.constant 0 : i32
        %add3A_694 = arith.addi %mul3A_692, %add3A_693 : i32
        %get3A_695 = arith.index_cast %add3A_694 : i32 to index
        %get3A_696 = tpu.vector_load %arg5[%get3A_695] {strides = array<i32>} : memref<81936xi32, #tpu.memory_space<vmem>>, vector<16xi32>,
        %get3A_697 = vector.shape_cast %get3A_696 : vector<16xi32> to vector<16xi32>
        %max3A_698 = arith.maxsi %max3A_642, %get3A_697 : vector<16xi32>
        %shift_left3A_699 = arith.constant 16 : i32
        %shift_left3A_700 = vector.broadcast %shift_left3A_699 : i32 to vector<16xi32>
        %shift_left3A_701 = arith.shli %get3A_697, %shift_left3A_700 : vector<16xi32>
        %max3A_702 = arith.maxsi %max3A_646, %shift_left3A_701 : vector<16xi32>
        %slice3A_703 = vector.extract_strided_slice %get3A_60 {offsets = [7], sizes = [1], strides = [1]} : vector<16xi32> to vector<1xi32>
        %squeeze3A_704 = vector.extract %slice3A_703[0] : i32 from vector<1xi32>
        %mul3A_705 = arith.constant 8 : i32
        %mul3A_706 = arith.muli %squeeze3A_704, %mul3A_705 : i32
        %add3A_707 = arith.constant 0 : i32
        %add3A_708 = arith.addi %mul3A_706, %add3A_707 : i32
        %get3A_709 = arith.index_cast %add3A_708 : i32 to index
        %get3A_710 = tpu.vector_load %arg5[%get3A_709] {strides = array<i32>} : memref<81936xi32, #tpu.memory_space<vmem>>, vector<16xi32>,
        %get3A_711 = vector.shape_cast %get3A_710 : vector<16xi32> to vector<16xi32>
        %max3A_712 = arith.maxsi %max3A_656, %get3A_711 : vector<16xi32>
        %shift_left3A_713 = arith.constant 16 : i32
        %shift_left3A_714 = vector.broadcast %shift_left3A_713 : i32 to vector<16xi32>
        %shift_left3A_715 = arith.shli %get3A_711, %shift_left3A_714 : vector<16xi32>
        %max3A_716 = arith.maxsi %max3A_660, %shift_left3A_715 : vector<16xi32>
        %slice3A_717 = vector.extract_strided_slice %get3A_67 {offsets = [7], sizes = [1], strides = [1]} : vector<16xi32> to vector<1xi32>
        %squeeze3A_718 = vector.extract %slice3A_717[0] : i32 from vector<1xi32>
        %mul3A_719 = arith.constant 8 : i32
        %mul3A_720 = arith.muli %squeeze3A_718, %mul3A_719 : i32
        %add3A_721 = arith.constant 0 : i32
        %add3A_722 = arith.addi %mul3A_720, %add3A_721 : i32
        %get3A_723 = arith.index_cast %add3A_722 : i32 to index
        %get3A_724 = tpu.vector_load %arg5[%get3A_723] {strides = array<i32>} : memref<81936xi32, #tpu.memory_space<vmem>>, vector<16xi32>,
        %get3A_725 = vector.shape_cast %get3A_724 : vector<16xi32> to vector<16xi32>
        %max3A_726 = arith.maxsi %max3A_670, %get3A_725 : vector<16xi32>
        %shift_left3A_727 = arith.constant 16 : i32
        %shift_left3A_728 = vector.broadcast %shift_left3A_727 : i32 to vector<16xi32>
        %shift_left3A_729 = arith.shli %get3A_725, %shift_left3A_728 : vector<16xi32>
        %max3A_730 = arith.maxsi %max3A_674, %shift_left3A_729 : vector<16xi32>
        %slice3A_731 = vector.extract_strided_slice %get3A_60 {offsets = [8], sizes = [1], strides = [1]} : vector<16xi32> to vector<1xi32>
        %squeeze3A_732 = vector.extract %slice3A_731[0] : i32 from vector<1xi32>
        %mul3A_733 = arith.constant 8 : i32
        %mul3A_734 = arith.muli %squeeze3A_732, %mul3A_733 : i32
        %add3A_735 = arith.constant 0 : i32
        %add3A_736 = arith.addi %mul3A_734, %add3A_735 : i32
        %get3A_737 = arith.index_cast %add3A_736 : i32 to index
        %get3A_738 = tpu.vector_load %arg5[%get3A_737] {strides = array<i32>} : memref<81936xi32, #tpu.memory_space<vmem>>, vector<16xi32>,
        %get3A_739 = vector.shape_cast %get3A_738 : vector<16xi32> to vector<16xi32>
        %max3A_740 = arith.maxsi %max3A_684, %get3A_739 : vector<16xi32>
        %shift_left3A_741 = arith.constant 16 : i32
        %shift_left3A_742 = vector.broadcast %shift_left3A_741 : i32 to vector<16xi32>
        %shift_left3A_743 = arith.shli %get3A_739, %shift_left3A_742 : vector<16xi32>
        %max3A_744 = arith.maxsi %max3A_688, %shift_left3A_743 : vector<16xi32>
        %slice3A_745 = vector.extract_strided_slice %get3A_67 {offsets = [8], sizes = [1], strides = [1]} : vector<16xi32> to vector<1xi32>
        %squeeze3A_746 = vector.extract %slice3A_745[0] : i32 from vector<1xi32>
        %mul3A_747 = arith.constant 8 : i32
        %mul3A_748 = arith.muli %squeeze3A_746, %mul3A_747 : i32
        %add3A_749 = arith.constant 0 : i32
        %add3A_750 = arith.addi %mul3A_748, %add3A_749 : i32
        %get3A_751 = arith.index_cast %add3A_750 : i32 to index
        %get3A_752 = tpu.vector_load %arg5[%get3A_751] {strides = array<i32>} : memref<81936xi32, #tpu.memory_space<vmem>>, vector<16xi32>,
        %get3A_753 = vector.shape_cast %get3A_752 : vector<16xi32> to vector<16xi32>
        %max3A_754 = arith.maxsi %max3A_698, %get3A_753 : vector<16xi32>
        %shift_left3A_755 = arith.constant 16 : i32
        %shift_left3A_756 = vector.broadcast %shift_left3A_755 : i32 to vector<16xi32>
        %shift_left3A_757 = arith.shli %get3A_753, %shift_left3A_756 : vector<16xi32>
        %max3A_758 = arith.maxsi %max3A_702, %shift_left3A_757 : vector<16xi32>
        %slice3A_759 = vector.extract_strided_slice %get3A_60 {offsets = [9], sizes = [1], strides = [1]} : vector<16xi32> to vector<1xi32>
        %squeeze3A_760 = vector.extract %slice3A_759[0] : i32 from vector<1xi32>
        %mul3A_761 = arith.constant 8 : i32
        %mul3A_762 = arith.muli %squeeze3A_760, %mul3A_761 : i32
        %add3A_763 = arith.constant 0 : i32
        %add3A_764 = arith.addi %mul3A_762, %add3A_763 : i32
        %get3A_765 = arith.index_cast %add3A_764 : i32 to index
        %get3A_766 = tpu.vector_load %arg5[%get3A_765] {strides = array<i32>} : memref<81936xi32, #tpu.memory_space<vmem>>, vector<16xi32>,
        %get3A_767 = vector.shape_cast %get3A_766 : vector<16xi32> to vector<16xi32>
        %max3A_768 = arith.maxsi %max3A_712, %get3A_767 : vector<16xi32>
        %shift_left3A_769 = arith.constant 16 : i32
        %shift_left3A_770 = vector.broadcast %shift_left3A_769 : i32 to vector<16xi32>
        %shift_left3A_771 = arith.shli %get3A_767, %shift_left3A_770 : vector<16xi32>
        %max3A_772 = arith.maxsi %max3A_716, %shift_left3A_771 : vector<16xi32>
        %slice3A_773 = vector.extract_strided_slice %get3A_67 {offsets = [9], sizes = [1], strides = [1]} : vector<16xi32> to vector<1xi32>
        %squeeze3A_774 = vector.extract %slice3A_773[0] : i32 from vector<1xi32>
        %mul3A_775 = arith.constant 8 : i32
        %mul3A_776 = arith.muli %squeeze3A_774, %mul3A_775 : i32
        %add3A_777 = arith.constant 0 : i32
        %add3A_778 = arith.addi %mul3A_776, %add3A_777 : i32
        %get3A_779 = arith.index_cast %add3A_778 : i32 to index
        %get3A_780 = tpu.vector_load %arg5[%get3A_779] {strides = array<i32>} : memref<81936xi32, #tpu.memory_space<vmem>>, vector<16xi32>,
        %get3A_781 = vector.shape_cast %get3A_780 : vector<16xi32> to vector<16xi32>
        %max3A_782 = arith.maxsi %max3A_726, %get3A_781 : vector<16xi32>
        %shift_left3A_783 = arith.constant 16 : i32
        %shift_left3A_784 = vector.broadcast %shift_left3A_783 : i32 to vector<16xi32>
        %shift_left3A_785 = arith.shli %get3A_781, %shift_left3A_784 : vector<16xi32>
        %max3A_786 = arith.maxsi %max3A_730, %shift_left3A_785 : vector<16xi32>
        %slice3A_787 = vector.extract_strided_slice %get3A_60 {offsets = [10], sizes = [1], strides = [1]} : vector<16xi32> to vector<1xi32>
        %squeeze3A_788 = vector.extract %slice3A_787[0] : i32 from vector<1xi32>
        %mul3A_789 = arith.constant 8 : i32
        %mul3A_790 = arith.muli %squeeze3A_788, %mul3A_789 : i32
        %add3A_791 = arith.constant 0 : i32
        %add3A_792 = arith.addi %mul3A_790, %add3A_791 : i32
        %get3A_793 = arith.index_cast %add3A_792 : i32 to index
        %get3A_794 = tpu.vector_load %arg5[%get3A_793] {strides = array<i32>} : memref<81936xi32, #tpu.memory_space<vmem>>, vector<16xi32>,
        %get3A_795 = vector.shape_cast %get3A_794 : vector<16xi32> to vector<16xi32>
        %max3A_796 = arith.maxsi %max3A_740, %get3A_795 : vector<16xi32>
        %shift_left3A_797 = arith.constant 16 : i32
        %shift_left3A_798 = vector.broadcast %shift_left3A_797 : i32 to vector<16xi32>
        %shift_left3A_799 = arith.shli %get3A_795, %shift_left3A_798 : vector<16xi32>
        %max3A_800 = arith.maxsi %max3A_744, %shift_left3A_799 : vector<16xi32>
        %slice3A_801 = vector.extract_strided_slice %get3A_67 {offsets = [10], sizes = [1], strides = [1]} : vector<16xi32> to vector<1xi32>
        %squeeze3A_802 = vector.extract %slice3A_801[0] : i32 from vector<1xi32>
        %mul3A_803 = arith.constant 8 : i32
        %mul3A_804 = arith.muli %squeeze3A_802, %mul3A_803 : i32
        %add3A_805 = arith.constant 0 : i32
        %add3A_806 = arith.addi %mul3A_804, %add3A_805 : i32
        %get3A_807 = arith.index_cast %add3A_806 : i32 to index
        %get3A_808 = tpu.vector_load %arg5[%get3A_807] {strides = array<i32>} : memref<81936xi32, #tpu.memory_space<vmem>>, vector<16xi32>,
        %get3A_809 = vector.shape_cast %get3A_808 : vector<16xi32> to vector<16xi32>
        %max3A_810 = arith.maxsi %max3A_754, %get3A_809 : vector<16xi32>
        %shift_left3A_811 = arith.constant 16 : i32
        %shift_left3A_812 = vector.broadcast %shift_left3A_811 : i32 to vector<16xi32>
        %shift_left3A_813 = arith.shli %get3A_809, %shift_left3A_812 : vector<16xi32>
        %max3A_814 = arith.maxsi %max3A_758, %shift_left3A_813 : vector<16xi32>
        %slice3A_815 = vector.extract_strided_slice %get3A_60 {offsets = [11], sizes = [1], strides = [1]} : vector<16xi32> to vector<1xi32>
        %squeeze3A_816 = vector.extract %slice3A_815[0] : i32 from vector<1xi32>
        %mul3A_817 = arith.constant 8 : i32
        %mul3A_818 = arith.muli %squeeze3A_816, %mul3A_817 : i32
        %add3A_819 = arith.constant 0 : i32
        %add3A_820 = arith.addi %mul3A_818, %add3A_819 : i32
        %get3A_821 = arith.index_cast %add3A_820 : i32 to index
        %get3A_822 = tpu.vector_load %arg5[%get3A_821] {strides = array<i32>} : memref<81936xi32, #tpu.memory_space<vmem>>, vector<16xi32>,
        %get3A_823 = vector.shape_cast %get3A_822 : vector<16xi32> to vector<16xi32>
        %max3A_824 = arith.maxsi %max3A_768, %get3A_823 : vector<16xi32>
        %shift_left3A_825 = arith.constant 16 : i32
        %shift_left3A_826 = vector.broadcast %shift_left3A_825 : i32 to vector<16xi32>
        %shift_left3A_827 = arith.shli %get3A_823, %shift_left3A_826 : vector<16xi32>
        %max3A_828 = arith.maxsi %max3A_772, %shift_left3A_827 : vector<16xi32>
        %slice3A_829 = vector.extract_strided_slice %get3A_67 {offsets = [11], sizes = [1], strides = [1]} : vector<16xi32> to vector<1xi32>
        %squeeze3A_830 = vector.extract %slice3A_829[0] : i32 from vector<1xi32>
        %mul3A_831 = arith.constant 8 : i32
        %mul3A_832 = arith.muli %squeeze3A_830, %mul3A_831 : i32
        %add3A_833 = arith.constant 0 : i32
        %add3A_834 = arith.addi %mul3A_832, %add3A_833 : i32
        %get3A_835 = arith.index_cast %add3A_834 : i32 to index
        %get3A_836 = tpu.vector_load %arg5[%get3A_835] {strides = array<i32>} : memref<81936xi32, #tpu.memory_space<vmem>>, vector<16xi32>,
        %get3A_837 = vector.shape_cast %get3A_836 : vector<16xi32> to vector<16xi32>
        %max3A_838 = arith.maxsi %max3A_782, %get3A_837 : vector<16xi32>
        %shift_left3A_839 = arith.constant 16 : i32
        %shift_left3A_840 = vector.broadcast %shift_left3A_839 : i32 to vector<16xi32>
        %shift_left3A_841 = arith.shli %get3A_837, %shift_left3A_840 : vector<16xi32>
        %max3A_842 = arith.maxsi %max3A_786, %shift_left3A_841 : vector<16xi32>
        %slice3A_843 = vector.extract_strided_slice %get3A_60 {offsets = [12], sizes = [1], strides = [1]} : vector<16xi32> to vector<1xi32>
        %squeeze3A_844 = vector.extract %slice3A_843[0] : i32 from vector<1xi32>
        %mul3A_845 = arith.constant 8 : i32
        %mul3A_846 = arith.muli %squeeze3A_844, %mul3A_845 : i32
        %add3A_847 = arith.constant 0 : i32
        %add3A_848 = arith.addi %mul3A_846, %add3A_847 : i32
        %get3A_849 = arith.index_cast %add3A_848 : i32 to index
        %get3A_850 = tpu.vector_load %arg5[%get3A_849] {strides = array<i32>} : memref<81936xi32, #tpu.memory_space<vmem>>, vector<16xi32>,
        %get3A_851 = vector.shape_cast %get3A_850 : vector<16xi32> to vector<16xi32>
        %max3A_852 = arith.maxsi %max3A_796, %get3A_851 : vector<16xi32>
        %shift_left3A_853 = arith.constant 16 : i32
        %shift_left3A_854 = vector.broadcast %shift_left3A_853 : i32 to vector<16xi32>
        %shift_left3A_855 = arith.shli %get3A_851, %shift_left3A_854 : vector<16xi32>
        %max3A_856 = arith.maxsi %max3A_800, %shift_left3A_855 : vector<16xi32>
        %slice3A_857 = vector.extract_strided_slice %get3A_67 {offsets = [12], sizes = [1], strides = [1]} : vector<16xi32> to vector<1xi32>
        %squeeze3A_858 = vector.extract %slice3A_857[0] : i32 from vector<1xi32>
        %mul3A_859 = arith.constant 8 : i32
        %mul3A_860 = arith.muli %squeeze3A_858, %mul3A_859 : i32
        %add3A_861 = arith.constant 0 : i32
        %add3A_862 = arith.addi %mul3A_860, %add3A_861 : i32
        %get3A_863 = arith.index_cast %add3A_862 : i32 to index
        %get3A_864 = tpu.vector_load %arg5[%get3A_863] {strides = array<i32>} : memref<81936xi32, #tpu.memory_space<vmem>>, vector<16xi32>,
        %get3A_865 = vector.shape_cast %get3A_864 : vector<16xi32> to vector<16xi32>
        %max3A_866 = arith.maxsi %max3A_810, %get3A_865 : vector<16xi32>
        %shift_left3A_867 = arith.constant 16 : i32
        %shift_left3A_868 = vector.broadcast %shift_left3A_867 : i32 to vector<16xi32>
        %shift_left3A_869 = arith.shli %get3A_865, %shift_left3A_868 : vector<16xi32>
        %max3A_870 = arith.maxsi %max3A_814, %shift_left3A_869 : vector<16xi32>
        %slice3A_871 = vector.extract_strided_slice %get3A_60 {offsets = [13], sizes = [1], strides = [1]} : vector<16xi32> to vector<1xi32>
        %squeeze3A_872 = vector.extract %slice3A_871[0] : i32 from vector<1xi32>
        %mul3A_873 = arith.constant 8 : i32
        %mul3A_874 = arith.muli %squeeze3A_872, %mul3A_873 : i32
        %add3A_875 = arith.constant 0 : i32
        %add3A_876 = arith.addi %mul3A_874, %add3A_875 : i32
        %get3A_877 = arith.index_cast %add3A_876 : i32 to index
        %get3A_878 = tpu.vector_load %arg5[%get3A_877] {strides = array<i32>} : memref<81936xi32, #tpu.memory_space<vmem>>, vector<16xi32>,
        %get3A_879 = vector.shape_cast %get3A_878 : vector<16xi32> to vector<16xi32>
        %max3A_880 = arith.maxsi %max3A_824, %get3A_879 : vector<16xi32>
        %shift_left3A_881 = arith.constant 16 : i32
        %shift_left3A_882 = vector.broadcast %shift_left3A_881 : i32 to vector<16xi32>
        %shift_left3A_883 = arith.shli %get3A_879, %shift_left3A_882 : vector<16xi32>
        %max3A_884 = arith.maxsi %max3A_828, %shift_left3A_883 : vector<16xi32>
        %slice3A_885 = vector.extract_strided_slice %get3A_67 {offsets = [13], sizes = [1], strides = [1]} : vector<16xi32> to vector<1xi32>
        %squeeze3A_886 = vector.extract %slice3A_885[0] : i32 from vector<1xi32>
        %mul3A_887 = arith.constant 8 : i32
        %mul3A_888 = arith.muli %squeeze3A_886, %mul3A_887 : i32
        %add3A_889 = arith.constant 0 : i32
        %add3A_890 = arith.addi %mul3A_888, %add3A_889 : i32
        %get3A_891 = arith.index_cast %add3A_890 : i32 to index
        %get3A_892 = tpu.vector_load %arg5[%get3A_891] {strides = array<i32>} : memref<81936xi32, #tpu.memory_space<vmem>>, vector<16xi32>,
        %get3A_893 = vector.shape_cast %get3A_892 : vector<16xi32> to vector<16xi32>
        %max3A_894 = arith.maxsi %max3A_838, %get3A_893 : vector<16xi32>
        %shift_left3A_895 = arith.constant 16 : i32
        %shift_left3A_896 = vector.broadcast %shift_left3A_895 : i32 to vector<16xi32>
        %shift_left3A_897 = arith.shli %get3A_893, %shift_left3A_896 : vector<16xi32>
        %max3A_898 = arith.maxsi %max3A_842, %shift_left3A_897 : vector<16xi32>
        %slice3A_899 = vector.extract_strided_slice %get3A_60 {offsets = [14], sizes = [1], strides = [1]} : vector<16xi32> to vector<1xi32>
        %squeeze3A_900 = vector.extract %slice3A_899[0] : i32 from vector<1xi32>
        %mul3A_901 = arith.constant 8 : i32
        %mul3A_902 = arith.muli %squeeze3A_900, %mul3A_901 : i32
        %add3A_903 = arith.constant 0 : i32
        %add3A_904 = arith.addi %mul3A_902, %add3A_903 : i32
        %get3A_905 = arith.index_cast %add3A_904 : i32 to index
        %get3A_906 = tpu.vector_load %arg5[%get3A_905] {strides = array<i32>} : memref<81936xi32, #tpu.memory_space<vmem>>, vector<16xi32>,
        %get3A_907 = vector.shape_cast %get3A_906 : vector<16xi32> to vector<16xi32>
        %max3A_908 = arith.maxsi %max3A_852, %get3A_907 : vector<16xi32>
        %shift_left3A_909 = arith.constant 16 : i32
        %shift_left3A_910 = vector.broadcast %shift_left3A_909 : i32 to vector<16xi32>
        %shift_left3A_911 = arith.shli %get3A_907, %shift_left3A_910 : vector<16xi32>
        %max3A_912 = arith.maxsi %max3A_856, %shift_left3A_911 : vector<16xi32>
        %slice3A_913 = vector.extract_strided_slice %get3A_67 {offsets = [14], sizes = [1], strides = [1]} : vector<16xi32> to vector<1xi32>
        %squeeze3A_914 = vector.extract %slice3A_913[0] : i32 from vector<1xi32>
        %mul3A_915 = arith.constant 8 : i32
        %mul3A_916 = arith.muli %squeeze3A_914, %mul3A_915 : i32
        %add3A_917 = arith.constant 0 : i32
        %add3A_918 = arith.addi %mul3A_916, %add3A_917 : i32
        %get3A_919 = arith.index_cast %add3A_918 : i32 to index
        %get3A_920 = tpu.vector_load %arg5[%get3A_919] {strides = array<i32>} : memref<81936xi32, #tpu.memory_space<vmem>>, vector<16xi32>,
        %get3A_921 = vector.shape_cast %get3A_920 : vector<16xi32> to vector<16xi32>
        %max3A_922 = arith.maxsi %max3A_866, %get3A_921 : vector<16xi32>
        %shift_left3A_923 = arith.constant 16 : i32
        %shift_left3A_924 = vector.broadcast %shift_left3A_923 : i32 to vector<16xi32>
        %shift_left3A_925 = arith.shli %get3A_921, %shift_left3A_924 : vector<16xi32>
        %max3A_926 = arith.maxsi %max3A_870, %shift_left3A_925 : vector<16xi32>
        %slice3A_927 = vector.extract_strided_slice %get3A_60 {offsets = [15], sizes = [1], strides = [1]} : vector<16xi32> to vector<1xi32>
        %squeeze3A_928 = vector.extract %slice3A_927[0] : i32 from vector<1xi32>
        %mul3A_929 = arith.constant 8 : i32
        %mul3A_930 = arith.muli %squeeze3A_928, %mul3A_929 : i32
        %add3A_931 = arith.constant 0 : i32
        %add3A_932 = arith.addi %mul3A_930, %add3A_931 : i32
        %get3A_933 = arith.index_cast %add3A_932 : i32 to index
        %get3A_934 = tpu.vector_load %arg5[%get3A_933] {strides = array<i32>} : memref<81936xi32, #tpu.memory_space<vmem>>, vector<16xi32>,
        %get3A_935 = vector.shape_cast %get3A_934 : vector<16xi32> to vector<16xi32>
        %max3A_936 = arith.maxsi %max3A_880, %get3A_935 : vector<16xi32>
        %shift_left3A_937 = arith.constant 16 : i32
        %shift_left3A_938 = vector.broadcast %shift_left3A_937 : i32 to vector<16xi32>
        %shift_left3A_939 = arith.shli %get3A_935, %shift_left3A_938 : vector<16xi32>
        %max3A_940 = arith.maxsi %max3A_884, %shift_left3A_939 : vector<16xi32>
        %slice3A_941 = vector.extract_strided_slice %get3A_67 {offsets = [15], sizes = [1], strides = [1]} : vector<16xi32> to vector<1xi32>
        %squeeze3A_942 = vector.extract %slice3A_941[0] : i32 from vector<1xi32>
        %mul3A_943 = arith.constant 8 : i32
        %mul3A_944 = arith.muli %squeeze3A_942, %mul3A_943 : i32
        %add3A_945 = arith.constant 0 : i32
        %add3A_946 = arith.addi %mul3A_944, %add3A_945 : i32
        %get3A_947 = arith.index_cast %add3A_946 : i32 to index
        %get3A_948 = tpu.vector_load %arg5[%get3A_947] {strides = array<i32>} : memref<81936xi32, #tpu.memory_space<vmem>>, vector<16xi32>,
        %get3A_949 = vector.shape_cast %get3A_948 : vector<16xi32> to vector<16xi32>
        %max3A_950 = arith.maxsi %max3A_894, %get3A_949 : vector<16xi32>
        %shift_left3A_951 = arith.constant 16 : i32
        %shift_left3A_952 = vector.broadcast %shift_left3A_951 : i32 to vector<16xi32>
        %shift_left3A_953 = arith.shli %get3A_949, %shift_left3A_952 : vector<16xi32>
        %max3A_954 = arith.maxsi %max3A_898, %shift_left3A_953 : vector<16xi32>
        %max3A_955 = arith.maxsi %max3A_908, %max3A_922 : vector<16xi32>
        %max3A_956 = arith.maxsi %max3A_936, %max3A_950 : vector<16xi32>
        %max3A_957 = arith.maxsi %max3A_955, %max3A_956 : vector<16xi32>
        %max3A_958 = arith.maxsi %max3A_912, %max3A_926 : vector<16xi32>
        %max3A_959 = arith.maxsi %max3A_940, %max3A_954 : vector<16xi32>
        %max3A_960 = arith.maxsi %max3A_958, %max3A_959 : vector<16xi32>
        %and3A_961 = arith.constant -65536 : i32
        %and3A_962 = vector.broadcast %and3A_961 : i32 to vector<16xi32>
        %and3A_963 = arith.andi %max3A_957, %and3A_962 : vector<16xi32>
        %shift_right_logical3A_964 = arith.constant 16 : i32
        %shift_right_logical3A_965 = vector.broadcast %shift_right_logical3A_964 : i32 to vector<16xi32>
        %shift_right_logical3A_966 = arith.shrui %max3A_960, %shift_right_logical3A_965 : vector<16xi32>
        %or3A_967 = arith.ori %and3A_963, %shift_right_logical3A_966 : vector<16xi32>
        %select_n3A = arith.select %lt3A_6, %or3A, %or3A_967 : vector<16xi1>, vector<16xi32>
        %mul3A_968 = arith.constant 16 : i32
        %mul3A_969 = arith.muli %add3A_42, %mul3A_968 : i32
        %swap3A = arith.index_cast %mul3A_969 : i32 to index
        %swap3A_970 = tpu.vector_load %arg7[%swap3A] {strides = array<i32>} : memref<2048xi32, #tpu.memory_space<vmem>>, vector<16xi32>,
        %swap3A_971 = vector.shape_cast %swap3A_970 : vector<16xi32> to vector<16xi32>
        %swap3A_972 = vector.shape_cast %select_n3A : vector<16xi32> to vector<16xi32>
        tpu.vector_store %arg7[%swap3A], %swap3A_972 {strides = array<i32>} : memref<2048xi32, #tpu.memory_space<vmem>>, vector<16xi32>,
      }
      %scan3A_25 = arith.constant 128 : i32
      %mul3A_26 = arith.constant 81920 : i32
      %mul3A_27 = arith.muli %shift_right_arithmetic3A_1, %mul3A_26 : i32
      %mul3A_28 = arith.constant 2560 : i32
      %mul3A_29 = arith.muli %and3A_2, %mul3A_28 : i32
      %mul3A_30 = arith.constant 8 : i32
      %mul3A_31 = arith.muli %mul3A_29, %mul3A_30 : i32
      %add3A_32 = arith.addi %mul3A_27, %mul3A_31 : i32
      %mul3A_33 = arith.constant 256 : i32
      %mul3A_34 = arith.muli %add3A_15, %mul3A_33 : i32
      %mul3A_35 = arith.constant 8 : i32
      %mul3A_36 = arith.muli %mul3A_34, %mul3A_35 : i32
      %add3A_37 = arith.addi %add3A_32, %mul3A_36 : i32
      "tpu.region"() ({
        %run_scoped3A = tpu.sem_alloc : memref<!tpu.dma_semaphore, #tpu.memory_space<semaphore_mem>>
        %dma_start3A = arith.constant 0 : i32
        %dma_start3A_38 = tpu.memref_slice %arg7[%dma_start3A] : memref<2048xi32, #tpu.memory_space<vmem>> -> memref<2048xi32, #tpu.memory_space<vmem>>
        %dma_start3A_39 = tpu.memref_slice %arg4[%add3A_37] : memref<655360xi32, #tpu.memory_space<hbm>> -> memref<2048xi32, #tpu.memory_space<hbm>>
        %dma_start3A_40 = tpu.memref_slice %arg4[%add3A_37] : memref<655360xi32, #tpu.memory_space<hbm>> -> memref<2048xi32, #tpu.memory_space<hbm>>
        %dma_start3A_41 = arith.constant 0 : i32
        %dma_start3A_42 = tpu.memref_slice %arg7[%dma_start3A_41] : memref<2048xi32, #tpu.memory_space<vmem>> -> memref<2048xi32, #tpu.memory_space<vmem>>
        tpu.enqueue_dma source(%dma_start3A_42 : memref<2048xi32, #tpu.memory_space<vmem>>) target(%dma_start3A_40 : memref<2048xi32, #tpu.memory_space<hbm>>) target_semaphore(%run_scoped3A : memref<!tpu.dma_semaphore, #tpu.memory_space<semaphore_mem>>)
        %dma_wait3A = arith.constant 0 : i32
        %dma_wait3A_43 = tpu.memref_slice %arg7[%dma_wait3A] : memref<2048xi32, #tpu.memory_space<vmem>> -> memref<2048xi32, #tpu.memory_space<vmem>>
        %dma_wait3A_44 = tpu.memref_slice %arg4[%add3A_37] : memref<655360xi32, #tpu.memory_space<hbm>> -> memref<2048xi32, #tpu.memory_space<hbm>>
        %dma_wait3A_45 = tpu.memref_slice %arg4[%add3A_37] : memref<655360xi32, #tpu.memory_space<hbm>> -> memref<2048xi32, #tpu.memory_space<hbm>>
        %dma_wait3A_46 = arith.constant 0 : i32
        %dma_wait3A_47 = tpu.memref_slice %arg7[%dma_wait3A_46] : memref<2048xi32, #tpu.memory_space<vmem>> -> memref<2048xi32, #tpu.memory_space<vmem>>
        tpu.wait_dma2 semaphore(%run_scoped3A : memref<!tpu.dma_semaphore, #tpu.memory_space<semaphore_mem>>) src(%dma_wait3A_47 : memref<2048xi32, #tpu.memory_space<vmem>>) dst(%dma_wait3A_45 : memref<2048xi32, #tpu.memory_space<hbm>>)
        tpu.yield
      }) : () -> ()
    }
    %scan3A_10 = arith.constant 10 : i32
    return
  }
}

module attributes {stable_mosaic.version = 14 : i64} {
  func.func @body(%arg0: memref<10000x128xbf16, #tpu.memory_space<vmem>>, %arg1: memref<128x128xf32, #tpu.memory_space<vmem>>, %arg2: memref<128x1xf32, #tpu.memory_space<vmem>>, %arg3: memref<128x10000xf32, #tpu.memory_space<vmem>>) attributes {dimension_semantics = [], scalar_prefetch = 0 : i64, scratch_operands = 0 : i64, tpu.core_type = #tpu.core_type<tc>} {
    %get3A = arith.constant 0 : index
    %get3A_0 = arith.constant 0 : index
    %get3A_1 = vector.load %arg1[%get3A, %get3A_0] : memref<128x128xf32, #tpu.memory_space<vmem>>, vector<128x128xf32>
    %get3A_2 = arith.constant 0 : index
    %get3A_3 = arith.constant 0 : index
    %get3A_4 = vector.load %arg0[%get3A_2, %get3A_3] : memref<10000x128xbf16, #tpu.memory_space<vmem>>, vector<10000x128xbf16>
    %convert_element_type3A = arith.extf %get3A_4 : vector<10000x128xbf16> to vector<10000x128xf32>
    %dot_general3A = arith.constant dense<0.000000e+00> : vector<128x10000xf32>
    %dot_general3A_5 = tpu.matmul %get3A_1, %convert_element_type3A, %dot_general3A {dimension_numbers = #tpu.dot_dimension_numbers<[1], [1], [0], [0], [0, 0, 1, 0], [], []>, transpose_lhs_hint = false} : vector<128x128xf32>, vector<10000x128xf32>, vector<128x10000xf32> -> vector<128x10000xf32>
    %get3A_6 = arith.constant 0 : index
    %get3A_7 = arith.constant 0 : index
    %get3A_8 = vector.load %arg2[%get3A_6, %get3A_7] : memref<128x1xf32, #tpu.memory_space<vmem>>, vector<128x1xf32>
    %add3A = vector.broadcast %get3A_8 : vector<128x1xf32> to vector<128x10000xf32>
    %add3A_9 = arith.addf %dot_general3A_5, %add3A : vector<128x10000xf32>
    %max3A = arith.constant 0.000000e+00 : f32
    %max3A_10 = vector.broadcast %max3A : f32 to vector<128x10000xf32>
    %max3A_11 = arith.maximumf %add3A_9, %max3A_10 : vector<128x10000xf32>
    %swap3A = arith.constant 0 : index
    %swap3A_12 = arith.constant 0 : index
    %swap3A_13 = vector.load %arg3[%swap3A, %swap3A_12] : memref<128x10000xf32, #tpu.memory_space<vmem>>, vector<128x10000xf32>
    tpu.vector_store %arg3[%swap3A, %swap3A_12], %max3A_11 {strides = array<i32>} : memref<128x10000xf32, #tpu.memory_space<vmem>>, vector<128x10000xf32>,
    return
  }
}

</mosaic_0001>

<sc_bundles>
// kernel: kernel.4.cloned.1.call-start
scs
__scs_entry_jumppad:
0x0: {  	(pc) =	sbr.rel $0x88, $3  }
0x1: {  	(tag) =	ssettag $0x0;
	lr =	simm.s32 $0x1  }
0x2: {  	[smem:$0x3F9D] =	sst lr;
	_ =	strace $0xD0000000  }
0x3: {  	_ = 	snop  }
0x4: {  	_ = 	snop  }
0x5: {  	_ = 	snop  }
0x6: {  	_ = 	snop  }
0x7: {  	_ = 	snop  }
__scs_overlays_trampoline_lowered:
0x8: {  	[smem:$0x3FAC] =	sst s0  }
0x9: {  	[smem:$0x3FAD] =	sst s1  }
0xa: {  	[smem:$0x3FAE] =	sst s2  }
0xb: {  	[smem:$0x3FAF] =	sst s3  }
0xc: {  	[smem:$0x3FB0] =	sst s4  }
0xd: {  	[smem:$0x3FB1] =	sst s5  }
0xe: {  	[smem:$0x3FB2] =	sst s6  }
0xf: {  	[smem:$0x3FB3] =	sst s7  }
0x10: {  	[smem:$0x3FB4] =	sst s8  }
0x11: {  	[smem:$0x3FB5] =	sst s9;
	s0 =	simm.s32 @!p0 $0x0  }
0x12: {  	s1 =	sld [smem:$0x3F9B];
	s0 =	simm.s32 @p0 $0x1  }
0x13: {  	[smem:$0x3FB6] =	sst s0;
	s0 =	simm.s32 @!p1 $0x0  }
0x14: {  	s2 =	sld [smem:$0x3F9A];
	s0 =	simm.s32 @p1 $0x1  }
0x15: {  	[smem:$0x3FB7] =	sst s0;
	s0 =	simm.s32 @!p2 $0x0  }
0x16: {  	s3 =	sld [smem:$0x3FDB];
	s0 =	simm.s32 @p2 $0x1  }
0x17: {  	s4 =	simm.s32 $0x1BF5;
	[smem:$0x3FB9] =	sst s0  }
0x18: {  	s0 =	sld [smem:$0x3F9C];
	_ =	swait.ge [sflag:s4], $0x0  }
0x19: {  	s7 =	sld [smem:$0x3F9D]  }
0x1a: {  	s8 =	sadd.s32 $0xFFFFE003, lr  }
0x1b: {  	s9 =	sadd.s32 $0xFFFFFEF7, lr;
	s5 =	simm.s32 $0xFFFFFFFF;
	p2 =	slt.u32 s8, $0xFFFFF086  }
0x1c: {  	p1 =	slt.u32 s9, $0xF7A;
	s5 =	simm.s32 @!p2 $0x0  }
0x1d: {  	s5 =	simm.s32 @p1 $0x1;
	p0 =	seq.s32 s7, s2  }
0x1e: {  	s7 =	smul.u32 @!p0 $0xF7A, s2;
	p2 =	seq.s32 @!p0 s5, $0x0  }
0x1f: {  	s9 =	smul.u32 $0xF7A, s1;
	s8 =	simm.s32 @!p0 $0x1BF5;
	p2 =	por !p2, p0  }
0x20: {  	[sflag:s8] =	ssyncset.s32 @!p0 $0xFFFFF086;
	s6 =	sadd.s32 @!p0 s3, s7;
	s7 =	simm.s32 @!p0 $0x108  }
0x21: {  	s3 =	sadd.s32 s3, s9;
	s6 =	sadd.s32 @!p0 $0x88, s6;
	s7 =	simm.s32 @p2 $0x1082  }
0x22: {  	[simem:s7], [sflag:s8] =	dma.local @!p0 [hbm:s6], $0xF7A  }
0x23: {  	s9 =	sor.u32 $0xD0000000, s2;
	s6 =	simm.s32 $0x108;
	_ =	swait.ge @!p0 [sflag:s8], $0x0  }
0x24: {  	s3 =	sadd.s32 $0x88, s3;
	s6 =	simm.s32 @!p1 $0x1082;
	[sflag:s4] =	ssyncset.s32 $0xFFFFF086  }
0x25: {  	[simem:s6], [sflag:s4] =	dma.local [hbm:s3], $0xF7A  }
0x26: {  	[smem:$0x3F9D] =	sst s1;
	(tag) =	ssettag s2;
	_ =	strace s9  }
0x27: {  	s1 =	sld [smem:$0x3FAD]  }
0x28: {  	s2 =	sld [smem:$0x3FAE]  }
0x29: {  	s4 =	sld [smem:$0x3FB0]  }
0x2a: {  	p0 =	seq.s32 s5, $0x0;
	s5 =	sld [smem:$0x3FB1]  }
0x2b: {  	s6 =	sld [smem:$0x3FB2]  }
0x2c: {  	s7 =	sld [smem:$0x3FB3]  }
0x2d: {  	s3 =	simm.s32 $0x108;
	s8 =	sld [smem:$0x3FB4]  }
0x2e: {  	s3 =	simm.s32 @!p0 $0x1082;
	s9 =	sld [smem:$0x3FB5]  }
0x2f: {  	lr =	sadd.s32 s0, s3;
	s0 =	sld [smem:$0x3FAC]  }
0x30: {  	s3 =	sld [smem:$0x3FAF]  }
0x31: {  	[smem:$0x3FB8] =	sst s10  }
0x32: {  	s10 =	sld [smem:$0x3FB6];
	_ =	sdelay $0x3  }
0x33: {  	p0 =	seq.s32 s10, $0x1;
	s10 =	sld [smem:$0x3FB8];
	_ =	sdelay $0x3  }
0x34: {  	[smem:$0x3FB8] =	sst s10  }
0x35: {  	s10 =	sld [smem:$0x3FB7];
	_ =	sdelay $0x3  }
0x36: {  	p1 =	seq.s32 s10, $0x1;
	s10 =	sld [smem:$0x3FB8];
	_ =	sdelay $0x3  }
0x37: {  	[smem:$0x3FB8] =	sst s10  }
0x38: {  	s10 =	sld [smem:$0x3FB9]  }
0x39: {  	_ = 	snop;
	(pc) =	sbr.ind lr, $3  }
0x3a: {  	_ = 	snop  }
0x3b: {  	_ = 	snop  }
0x3c: {  	p2 =	seq.s32 s10, $0x1;
	s10 =	sld [smem:$0x3FB8]  }
0x3d: {  	_ =	shalt  }
0x3e: {  	_ =	shalt  }
0x3f: {  	_ =	shalt  }
0x40: {  	_ =	shalt  }
0x41: {  	_ =	shalt  }
0x42: {  	_ =	shalt  }
0x43: {  	_ =	shalt  }
0x44: {  	_ =	shalt  }
0x45: {  	_ =	shalt  }
0x46: {  	_ =	shalt  }
0x47: {  	_ =	shalt  }
0x48: {  	_ =	shalt  }
0x49: {  	_ =	shalt  }
0x4a: {  	_ =	shalt  }
0x4b: {  	_ =	shalt  }
0x4c: {  	_ =	shalt  }
0x4d: {  	_ =	shalt  }
0x4e: {  	_ =	shalt  }
0x4f: {  	_ =	shalt  }
0x50: {  	_ =	shalt  }
0x51: {  	_ =	shalt  }
0x52: {  	_ =	shalt  }
0x53: {  	_ =	shalt  }
0x54: {  	_ =	shalt  }
0x55: {  	_ =	shalt  }
0x56: {  	_ =	shalt  }
0x57: {  	_ =	shalt  }
0x58: {  	_ =	shalt  }
0x59: {  	_ =	shalt  }
0x5a: {  	_ =	shalt  }
0x5b: {  	_ =	shalt  }
0x5c: {  	_ =	shalt  }
0x5d: {  	_ =	shalt  }
0x5e: {  	_ =	shalt  }
0x5f: {  	_ =	shalt  }
0x60: {  	_ =	shalt  }
0x61: {  	_ =	shalt  }
0x62: {  	_ =	shalt  }
0x63: {  	_ =	shalt  }
0x64: {  	_ =	shalt  }
0x65: {  	_ =	shalt  }
0x66: {  	_ =	shalt  }
0x67: {  	_ =	shalt  }
0x68: {  	_ =	shalt  }
0x69: {  	_ =	shalt  }
0x6a: {  	_ =	shalt  }
0x6b: {  	_ =	shalt  }
0x6c: {  	_ =	shalt  }
0x6d: {  	_ =	shalt  }
0x6e: {  	_ =	shalt  }
0x6f: {  	_ =	shalt  }
0x70: {  	_ =	shalt  }
0x71: {  	_ =	shalt  }
0x72: {  	_ =	shalt  }
0x73: {  	_ =	shalt  }
0x74: {  	_ =	shalt  }
0x75: {  	_ =	shalt  }
0x76: {  	_ =	shalt  }
0x77: {  	_ =	shalt  }
0x78: {  	_ =	shalt  }
0x79: {  	_ =	shalt  }
0x7a: {  	_ =	shalt  }
0x7b: {  	_ =	shalt  }
0x7c: {  	_ =	shalt  }
0x7d: {  	_ =	shalt  }
0x7e: {  	_ =	shalt  }
0x7f: {  	_ =	shalt  }
0x80: {  	_ =	shalt  }
0x81: {  	_ =	shalt  }
0x82: {  	_ =	shalt  }
0x83: {  	_ =	shalt  }
0x84: {  	_ =	shalt  }
0x85: {  	_ =	shalt  }
0x86: {  	_ =	shalt  }
0x87: {  	_ =	shalt  }
.Lfunc_end0:
.L_simem_size_0:
called_computation_lowered:
.L_overlay_start_0:
0x88: {  	s2 =	sld [smem:$0x3FD9]  }
0x89: {  	s3 =	sld [smem:$0x3FFE];
	_ =	sdelay $0x1  }
0x8a: {  	s1 =	srdreg.scid  }
0x8b: {  	s0 =	sand.u32 $0x1, s1  }
0x8c: {  	s17 =	sshll.u32 s0, $0xA;
	s2 =	sadd.s32 s3, s2  }
0x8d: {  	s2 =	sadd.s32 s2, s17  }
0x8e: {  	[smem:$0x3FC4] =	sst s2  }
0x8f: {  	_ = 	snop  }
0x90: {  	s2 =	sld [smem:$0x3FD0];
	(tm) =	ssettm $0x1  }
0x91: {  	s18 =	sld [smem:$0x3FFB];
	_ =	sdelay $0x3  }
0x92: {  	_ =	strace s18  }
0x93: {  	s3 =	sld [smem:$0x3FFC];
	_ =	sdelay $0x3  }
0x94: {  	_ =	strace s3  }
0x95: {  	s3 =	sld [smem:$0x3FFD];
	_ =	sdelay $0x3  }
0x96: {  	_ =	strace s3  }
0x97: {  	_ =	strace $0x8FFFFFFF  }
0x98: {  	s19 =	sld [smem:$0x3FDB];
	_ =	sdelay $0x1  }
0x99: {  	s4 =	simm.s32 $_scs_section_size  }
0x9a: {  	s5 =	simm.s32 $_size__tile_overlayer_lowered;
	s6 =	simm.s32 $_tile_overlayer_lowered  }
0x9b: {  	s22 =	simm.s32 $0x1BFF;
	s21 =	sshll.u32 s6, $0x1;
	s3 =	sadd.s32 s4, s19  }
0x9c: {  	s7 =	simm.s32 $0x0;
	s20 =	sshll.u32 s5, $0x1;
	s5 =	sadd.s32 s21, s3  }
0x9d: {  	[timem:s7], [sflag:s22] =	dma.local [hbm:s5], s20  }
0x9e: {  	_ =	swait.ge [sflag:s22], s20  }
0x9f: {  	s4 =	ssub.s32 $0x0, s20;
	[sflag:s22] =	ssyncset.done $0x0  }
0xa0: {  	[sflag:s22] =	ssyncadd.s32 s4;
	_ =	sdelay $0x1  }
0xa1: {  	s23 =	simm.s32 $0x1B8B  }
0xa2: {  	_ =	swait.ge [sflag:s23], $0x1  }
0xa3: {  	[sflag:s23] =	ssyncset.done $0x0  }
0xa4: {  	s25 =	simm.s32 $0x1B8E;
	s24 =	sld [smem:$0x3FFE];
	[sflag:s23] =	ssyncadd.s32 $0xFFFFFFFF  }
0xa5: {  	s26 =	simm.s32 $execute0_lowered;
	[smem:$0x3FD2] =	sst s25  }
0xa6: {  	s5 =	sshll.u32 s26, $0x1;
	_ =	strace $0x80000046;
	[dreg:$0x1] =	wrdreg $0xFFFFFFFF  }
0xa7: {  	s28 =	simm.s32 $_size_execute0_lowered;
	s3 =	sadd.s32 s3, s5;
	[dreg:$0x0] =	wrdreg $0x0  }
0xa8: {  	s5 =	sshll.u32 s28, $0x1;
	[dreg:$0x2] =	wrdreg s3  }
0xa9: {  	[dreg:$0x3] =	wrdreg s5  }
0xaa: {  	[dreg:$0x4] =	wrdreg $0xC0  }
0xab: {  	_ =	task [dreg:s7], $0x5FFFF  }
0xac: {  	[dreg:$0x1] =	wrdreg $0xFFFFFFFF  }
0xad: {  	[dreg:$0x0] =	wrdreg $0x60  }
0xae: {  	[dreg:$0x2] =	wrdreg s2  }
0xaf: {  	[dreg:$0x3] =	wrdreg s24  }
0xb0: {  	[dreg:$0x4] =	wrdreg $0x9  }
0xb1: {  	_ =	task.clear_ibuf [dreg:s7], $0x5FFFF;
	_ =	strace $0x90000046  }
0xb2: {  	s29 =	simm.s32 $0x9;
	_ =	strace $0x80000048  }
0xb3: {  	_ =	swait.ge [sflag:s29], $0x1  }
0xb4: {  	[sflag:s29] =	ssyncadd.s32 $0xFFFFFFFF  }
0xb5: {  	_ =	strace $0x90000048  }
0xb6: {  	_ =	sfence  }
0xb7: {  	s30 =	sld [smem:$0x0];
	_ =	sdelay $0x2  }
0xb8: {  	s31 =	sshll.u32 s1, $0xD;
	s1 =	sshrl.u32 s1, $0x2  }
0xb9: {  	s3 =	sand.u32 $0x4000, s31;
	s1 =	sadd.s32 s1, s30  }
0xba: {  	s0 =	sor.u32 s3, s0;
	s1 =	sshll.u32 s1, $0x11  }
0xbb: {  	s0 =	sor.u32 s1, s0  }
0xbc: {  	s0 =	sadd.s32 $0x8F2B, s0  }
0xbd: {  	[sflag:s0] =	ssyncadd.remote.s32 $0x1  }
0xbe: {  	_ =	sfence.sel $0xFFFF  }
0xbf: {  	[dreg:$0x0] =	wrdreg $0xFFFFFFFF;
	(pc) =	sbr.abs _section_cstart, $3  }
0xc0: {  	[dreg:$0x1] =	wrdreg $0xFFFFFFFF  }
0xc1: {  	_ =	task.clear_ibuf [dreg:s7], $0x2FFFF;
	_ =	strace $0x9FFFFFFF  }
0xc2: {  	(tm) =	ssettm $0x7FFFFFFF  }
0xc3: {  	_ =	shalt  }
tec
execute0_lowered:
.L_overlay_start_1:
0x0: {  	(tag) =	ssettag $0x1  }
0x1: {  	s5 =	rddreg [dreg:$0x0]  }
0x2: {  	s4 =	rddreg [dreg:$0x1]  }
0x3: {  	s0 =	rddreg [dreg:$0x2];
	s2 =	simm.s32 $0x0;
	s1 =	stileid.u32  }
0x4: {  	s6 =	srdreg.scid;
	s12 =	simm.s32 $0x0;
	[smem:$0x7FF] =	sst s2  }
0x5: {  	s3 =	sadd.s32 $0x600, s4;
	s7 =	sshll.u32 s1, $0x1;
	s8 =	sshrl.u32 s1, $0x1  }
0x6: {  	s6 =	sand.u32 $0x1, s6;
	s4 =	sadd.s32 $0xA600, s4;
	_ =	strace $0x80000047  }
0x7: {  	s7 =	sand.u32 $0x2, s7;
	s9 =	smul.u32 $0x2802, s8;
	s10 =	ssub.s32 $0x2, s6  }
0x8: {  	s30 =	smul.u32 $0x14000, s8;
	s6 =	sor.u32 s6, s7;
	s31 =	sshrl.u32 s10, $0x1  }
0x9: {  	s11 =	smul.u32 $0x5000, s6;
	s8 =	ssub.s32 s10, s31;
	s5 =	sadd.s32 s5, s9  }
0xa: {  	s6 =	smul.u32 $0x14000, s6;
	s9 =	simm.s32 $0x1;
	s10 =	simm.s32 $0x14080  }
0xb: {  	vm0 =	vmmov $0xff;
	s8 =	smax.u32 s8, $0x1;
	s7 =	sadd.s32 s30, s11;
	s11 =	simm.s32 $0x16080  }
.LBB2_1:
0xc: {  	[tilespmem:s2], [sflag:$0x1] =	stream.linear.gather [hbm4b:s5+s2], $0x14010, $0x38;
	[tilespmem:$0x16880] =	vst v63  }
0xd: {  	_ =	swait.ge [sflag:s9], $0x14010  }
0xe: {  	[sflag:s9] =	ssyncset.done $0x0  }
0xf: {  	s13 =	simm.s32 $0x0;
	[sflag:s9] =	ssyncadd.s32 $0xFFFEBFF0  }
.LBB2_2:
0x10: {  	s14 =	sshll.u32 s13, $0xD  }
0x11: {  	s14 =	sadd.s32 s6, s14  }
0x12: {  	s14 =	sshrl.u32 s14, $0x3  }
0x13: {  	s15 =	sadd.s32 s3, s14;
	s14 =	simm.s32 $0x0  }
0x14: {  	[tilespmem:s10], [sflag:$0x1] =	stream.linear.gather [hbm4b:s15+s14], $0x2000, $0x38;
	[tilespmem:$0x16880] =	vst v63  }
0x15: {  	_ =	swait.ge [sflag:s9], $0x2000  }
0x16: {  	[sflag:s9] =	ssyncset.done $0x0  }
0x17: {  	s15 =	simm.s32 $0x140A0;
	[sflag:s9] =	ssyncadd.s32 $0xFFFFE000  }
.LBB2_3:
0x18: {  	v0 =	vld [tilespmem:s15+$0xFFFFFFE0];
	_ =	sdelay $0x1  }
0x19: {  	v2 =	vld [tilespmem:s15+$0xFFFFFFF0];
	_ =	sdelay $0x2  }
0x1a: {  	v0 =	vshll.u32 v0, $0x5  }
0x1b: {  	v0 =	vshra.s32 v0, $0x2  }
0x1c: {  	v39 =	vshll.u32 v2, $0x5;
	v1 =	vadd.s32 $0x8, v0  }
0x1d: {  	v0 =	vshra.s32 v39, $0x2;
	(v2sf) =	vpush v1, $0x1  }
0x1e: {  	v0 =	vadd.s32 $0x8, v0;
	(v2sf) =	vpush v1, $0x0  }
0x1f: {  	(v2sf) =	vpush v0, $0x1  }
0x20: {  	(v2sf) =	vpush v0, $0x0  }
0x21: {  	(v2sf) =	vpush v1, $0x3  }
0x22: {  	(v2sf) =	vpush v1, $0x2  }
0x23: {  	(v2sf) =	vpush v0, $0x3  }
0x24: {  	(v2sf) =	vpush v0, $0x2;
	_ =	sdelay $0x1  }
0x25: {  	(v2sf) =	vpush v1, $0x5;
	_ =	sdelay $0x2  }
0x26: {  	(v2sf) =	vpush v1, $0x4;
	_ =	sdelay $0x2  }
0x27: {  	v23 =	vld [tilespmem:s15+$0x10];
	(v2sf) =	vpush v0, $0x5;
	s16 =	spop (v2sf)  }
0x28: {  	(v2sf) =	vpush v0, $0x4;
	s17 =	spop (v2sf);
	v4 =	vld [tilespmem:s16+$0x0]  }
0x29: {  	s18 =	spop (v2sf);
	v40 =	vld [tilespmem:s17+$0x0]  }
0x2a: {  	(v2sf) =	vpush v1, $0x7;
	s22 =	spop (v2sf);
	v6 =	vld [tilespmem:s18+$0x0]  }
0x2b: {  	(v2sf) =	vpush v1, $0x6;
	v3 =	vld [tilespmem:s22+$0x0];
	s23 =	spop (v2sf)  }
0x2c: {  	(v2sf) =	vpush v0, $0x7;
	s24 =	spop (v2sf);
	v12 =	vld [tilespmem:s23+$0x0]  }
0x2d: {  	v5 =	vld [tilespmem:s24+$0x0];
	s25 =	spop (v2sf)  }
0x2e: {  	s26 =	spop (v2sf);
	v41 =	vld [tilespmem:s25+$0x0]  }
0x2f: {  	(v2sf) =	vpush v0, $0x6;
	v7 =	vld [tilespmem:s26+$0x0]  }
0x30: {  	v28 =	vshll.u32 v23, $0x5;
	(v2sf) =	vpush v1, $0x9;
	s28 =	spop (v2sf)  }
0x31: {  	v10 =	vshll.u32 v4, $0x10;
	(v2sf) =	vpush v1, $0x8;
	v8 =	vshll.u32 v40, $0x10;
	v47 =	vld [tilespmem:s28+$0x0]  }
0x32: {  	v13 =	vshll.u32 v6, $0x10;
	v9 =	vshll.u32 v3, $0x10;
	vm1 =	vgt.s32 v40, v5  }
0x33: {  	s29 =	spop (v2sf);
	v44 =	vshll.u32 v12, $0x10;
	v11 =	vshll.u32 v5, $0x10;
	v2 =	vsel vm1, v40, v5  }
0x34: {  	v14 =	vld [tilespmem:s29+$0x0];
	vm1 =	vgt.s32 v8, v11;
	v5 =	vshll.u32 v41, $0x10;
	v42 =	vshll.u32 v7, $0x10  }
0x35: {  	v8 =	vsel vm1, v8, v11;
	vm1 =	vgt.s32 v3, v7;
	vm2 =	vgt.s32 v9, v42  }
0x36: {  	s30 =	spop (v2sf);
	v3 =	vsel vm1, v3, v7;
	vm1 =	vgt.s32 v4, v12;
	v51 =	vshll.u32 v47, $0x10  }
0x37: {  	v48 =	vld [tilespmem:s30+$0x0];
	v43 =	vsel vm2, v9, v42;
	s31 =	spop (v2sf);
	(v2sf) =	vpush v0, $0x9;
	v4 =	vsel vm1, v4, v12  }
0x38: {  	vm1 =	vgt.s32 v10, v44;
	vm2 =	vgt.s32 v6, v41;
	v45 =	vld [tilespmem:s31+$0x0];
	(v2sf) =	vpush v0, $0x8  }
0x39: {  	v46 =	vshll.u32 v14, $0x10;
	v9 =	vsel vm1, v10, v44;
	v6 =	vsel vm2, v6, v41;
	s19 =	spop (v2sf)  }
0x3a: {  	vm1 =	vgt.s32 v13, v5;
	vm2 =	vgt.s32 v2, v14;
	s20 =	spop (v2sf);
	(v2sf) =	vpush v1, $0xB;
	v54 =	vld [tilespmem:s19+$0x0]  }
0x3b: {  	v5 =	vsel vm1, v13, v5;
	vm1 =	vgt.s32 v8, v46;
	s21 =	spop (v2sf);
	(v2sf) =	vpush v1, $0xA  }
0x3c: {  	v53 =	vshll.u32 v48, $0x10;
	v2 =	vsel vm2, v2, v14;
	v8 =	vsel vm1, v8, v46;
	v50 =	vld [tilespmem:s20+$0x0]  }
0x3d: {  	(v2sf) =	vpush v0, $0xB;
	v56 =	vld [tilespmem:s21+$0x0];
	v49 =	vshll.u32 v45, $0x10;
	vm1 =	vgt.s32 v3, v45  }
0x3e: {  	s22 =	spop (v2sf);
	(v2sf) =	vpush v0, $0xA;
	vm2 =	vgt.s32 v43, v49;
	v3 =	vsel vm1, v3, v45  }
0x3f: {  	v52 =	vld [tilespmem:s22+$0x0];
	s23 =	spop (v2sf);
	vm1 =	vgt.s32 v4, v47;
	v12 =	vshll.u32 v54, $0x10;
	v7 =	vsel vm2, v43, v49  }
0x40: {  	v60 =	vld [tilespmem:s23+$0x0];
	v4 =	vsel vm1, v4, v47;
	vm1 =	vgt.s32 v9, v51;
	vm2 =	vgt.s32 v6, v48  }
0x41: {  	s24 =	spop (v2sf);
	v55 =	vshll.u32 v50, $0x10;
	v9 =	vsel vm1, v9, v51;
	v6 =	vsel vm2, v6, v48  }
0x42: {  	v58 =	vld [tilespmem:s24+$0x0];
	vm1 =	vgt.s32 v5, v53;
	vm2 =	vgt.s32 v2, v50;
	v10 =	vshll.u32 v56, $0x10  }
0x43: {  	v5 =	vsel vm1, v5, v53;
	v2 =	vsel vm2, v2, v50;
	vm1 =	vgt.s32 v8, v55  }
0x44: {  	v57 =	vshll.u32 v52, $0x10;
	vm2 =	vgt.s32 v6, v56;
	v8 =	vsel vm1, v8, v55  }
0x45: {  	vm1 =	vgt.s32 v3, v52;
	v6 =	vsel vm2, v6, v56;
	v18 =	vshll.u32 v60, $0x10  }
0x46: {  	v3 =	vsel vm1, v3, v52;
	vm1 =	vgt.s32 v7, v57;
	s25 =	spop (v2sf);
	(v2sf) =	vpush v1, $0xD  }
0x47: {  	vm2 =	vgt.s32 v2, v58;
	v61 =	vshll.u32 v58, $0x10;
	s26 =	spop (v2sf);
	(v2sf) =	vpush v1, $0xC;
	v62 =	vld [tilespmem:s25+$0x0]  }
0x48: {  	v7 =	vsel vm1, v7, v57;
	vm1 =	vgt.s32 v4, v54;
	v59 =	vld [tilespmem:s26+$0x0];
	(v2sf) =	vpush v0, $0xD  }
0x49: {  	v4 =	vsel vm1, v4, v54;
	vm1 =	vgt.s32 v9, v12;
	s28 =	spop (v2sf);
	(v2sf) =	vpush v0, $0xC  }
0x4a: {  	v21 =	vld [tilespmem:s15+$0x0];
	v9 =	vsel vm1, v9, v12;
	vm1 =	vgt.s32 v5, v10;
	s29 =	spop (v2sf);
	(v2sf) =	vpush v1, $0xF  }
0x4b: {  	v5 =	vsel vm1, v5, v10;
	vm1 =	vgt.s32 v8, v61;
	v20 =	vld [tilespmem:s28+$0x0];
	(v2sf) =	vpush v1, $0xE  }
0x4c: {  	v2 =	vsel vm2, v2, v58;
	v8 =	vsel vm1, v8, v61;
	v16 =	vld [tilespmem:s29+$0x0];
	s30 =	spop (v2sf);
	(v2sf) =	vpush v0, $0xF  }
0x4d: {  	vm2 =	vgt.s32 v6, v62;
	v22 =	vshll.u32 v62, $0x10;
	vm1 =	vgt.s32 v3, v59  }
0x4e: {  	s31 =	spop (v2sf);
	v26 =	vld [tilespmem:s30+$0x0];
	v63 =	vshll.u32 v59, $0x10;
	(v2sf) =	vpush v0, $0xE;
	v6 =	vsel vm2, v6, v62  }
0x4f: {  	v19 =	vld [tilespmem:s31+$0x0];
	v0 =	vshll.u32 v21, $0x5;
	v3 =	vsel vm1, v3, v59;
	vm1 =	vgt.s32 v7, v63  }
0x50: {  	v12 =	vshll.u32 v20, $0x10;
	v7 =	vsel vm1, v7, v63;
	vm1 =	vgt.s32 v4, v60  }
0x51: {  	vm2 =	vgt.s32 v2, v16;
	v24 =	vshll.u32 v16, $0x10;
	v17 =	vsel vm1, v4, v60  }
0x52: {  	vm1 =	vgt.s32 v9, v18;
	v2 =	vsel vm2, v2, v16;
	v4 =	vshra.s32 v0, $0x2  }
0x53: {  	v31 =	vshll.u32 v26, $0x10;
	v9 =	vsel vm1, v9, v18;
	vm1 =	vgt.s32 v5, v22  }
0x54: {  	v25 =	vshll.u32 v19, $0x10;
	v5 =	vsel vm1, v5, v22;
	vm1 =	vgt.s32 v8, v24  }
0x55: {  	vm2 =	vgt.s32 v17, v20;
	v8 =	vsel vm1, v8, v24;
	vm1 =	vgt.s32 v3, v19;
	s18 =	spop (v2sf)  }
0x56: {  	v11 =	vsel vm1, v3, v19;
	v3 =	vshra.s32 v28, $0x2;
	(v2sf) =	vpush v4, $0x0;
	s19 =	spop (v2sf);
	v32 =	vld [tilespmem:s18+$0x0]  }
0x57: {  	v1 =	vsel vm2, v17, v20;
	vm2 =	vgt.s32 v5, v31;
	(v2sf) =	vpush v3, $0x0;
	s20 =	spop (v2sf);
	v27 =	vld [tilespmem:s19+$0x0]  }
0x58: {  	vm1 =	vgt.s32 v7, v25;
	v5 =	vsel vm2, v5, v31;
	(v2sf) =	vpush v4, $0x1;
	s21 =	spop (v2sf);
	v34 =	vld [tilespmem:s20+$0x0]  }
0x59: {  	v7 =	vsel vm1, v7, v25;
	vm1 =	vgt.s32 v9, v12;
	(v2sf) =	vpush v3, $0x1;
	v29 =	vld [tilespmem:s21+$0x0]  }
0x5a: {  	v30 =	vsel vm1, v9, v12;
	vm1 =	vgt.s32 v6, v26;
	(v2sf) =	vpush v4, $0x2  }
0x5b: {  	v6 =	vsel vm1, v6, v26;
	(v2sf) =	vpush v3, $0x2;
	v37 =	vshll.u32 v32, $0x10  }
0x5c: {  	s22 =	spop (v2sf);
	(v2sf) =	vpush v4, $0x3;
	vm1 =	vgt.s32 v2, v27;
	v33 =	vshll.u32 v27, $0x10  }
0x5d: {  	s23 =	spop (v2sf);
	v40 =	vld [tilespmem:s22+$0x0];
	(v2sf) =	vpush v3, $0x3;
	v2 =	vsel vm1, v2, v27;
	vm1 =	vgt.s32 v8, v33  }
0x5e: {  	s24 =	spop (v2sf);
	v36 =	vld [tilespmem:s23+$0x0];
	v39 =	vshll.u32 v34, $0x10;
	(v2sf) =	vpush v4, $0x4;
	v35 =	vshll.u32 v29, $0x10  }
0x5f: {  	s25 =	spop (v2sf);
	v42 =	vld [tilespmem:s24+$0x0];
	vm2 =	vgt.s32 v11, v29;
	v8 =	vsel vm1, v8, v33;
	vm1 =	vgt.s32 v1, v32  }
0x60: {  	v38 =	vld [tilespmem:s25+$0x0];
	(v2sf) =	vpush v3, $0x4;
	vm3 =	vgt.s32 v7, v35;
	v10 =	vsel vm2, v11, v29  }
0x61: {  	v1 =	vsel vm1, v1, v32;
	vm1 =	vgt.s32 v30, v37;
	vm2 =	vgt.s32 v6, v34  }
0x62: {  	v44 =	vshll.u32 v40, $0x10;
	v7 =	vsel vm3, v7, v35;
	vm3 =	vgt.s32 v5, v39  }
0x63: {  	v0 =	vsel vm1, v30, v37;
	v6 =	vsel vm2, v6, v34;
	vm1 =	vgt.s32 v2, v36  }
0x64: {  	v41 =	vshll.u32 v36, $0x10;
	v5 =	vsel vm3, v5, v39;
	v2 =	vsel vm1, v2, v36  }
0x65: {  	vm1 =	vgt.s32 v8, v41;
	v13 =	vshll.u32 v42, $0x10;
	v43 =	vshll.u32 v38, $0x10  }
0x66: {  	vm2 =	vgt.s32 v10, v38;
	v8 =	vsel vm1, v8, v41;
	vm1 =	vgt.s32 v1, v40  }
0x67: {  	vm3 =	vgt.s32 v7, v43;
	v10 =	vsel vm2, v10, v38;
	s26 =	spop (v2sf);
	(v2sf) =	vpush v4, $0x5  }
0x68: {  	v1 =	vsel vm1, v1, v40;
	vm1 =	vgt.s32 v0, v44;
	vm2 =	vgt.s32 v6, v42;
	v45 =	vld [tilespmem:s26+$0x0];
	s28 =	spop (v2sf)  }
0x69: {  	v7 =	vsel vm3, v7, v43;
	v6 =	vsel vm2, v6, v42;
	(v2sf) =	vpush v3, $0x5;
	v46 =	vld [tilespmem:s28+$0x0];
	s29 =	spop (v2sf)  }
0x6a: {  	vm2 =	vgt.s32 v2, v10;
	vm3 =	vgt.s32 v5, v13;
	v11 =	vsel vm1, v0, v44;
	v47 =	vld [tilespmem:s29+$0x0];
	s30 =	spop (v2sf)  }
0x6b: {  	v2 =	vsel vm2, v2, v10;
	vm2 =	vgt.s32 v1, v6;
	(v2sf) =	vpush v4, $0x6;
	v48 =	vld [tilespmem:s30+$0x0];
	s31 =	spop (v2sf)  }
0x6c: {  	v5 =	vsel vm3, v5, v13;
	v1 =	vsel vm2, v1, v6;
	vm2 =	vgt.s32 v8, v7;
	v49 =	vld [tilespmem:s31+$0x0];
	s17 =	spop (v2sf)  }
0x6d: {  	vm3 =	vgt.s32 v11, v5;
	vm1 =	vgt.s32 v2, v1;
	(v2sf) =	vpush v3, $0x6;
	v50 =	vld [tilespmem:s17+$0x0]  }
0x6e: {  	v0 =	vsel vm1, v2, v1;
	v1 =	vsel vm2, v8, v7;
	s18 =	spop (v2sf);
	(v2sf) =	vpush v4, $0x7  }
0x6f: {  	v2 =	vsel vm3, v11, v5;
	v51 =	vshll.u32 v45, $0x10;
	v54 =	vld [tilespmem:s18+$0x0];
	s19 =	spop (v2sf);
	(v2sf) =	vpush v3, $0x7  }
0x70: {  	v52 =	vshll.u32 v46, $0x10;
	v53 =	vshll.u32 v47, $0x10;
	(v2sf) =	vpush v4, $0x8  }
0x71: {  	v16 =	vld [tilespmem:s19+$0x0];
	v15 =	vshll.u32 v48, $0x10;
	vm1 =	vgt.s32 v45, v49;
	v6 =	vshll.u32 v49, $0x10  }
0x72: {  	s20 =	spop (v2sf);
	v12 =	vsel vm1, v45, v49;
	vm1 =	vgt.s32 v51, v6;
	vm2 =	vgt.s32 v46, v50  }
0x73: {  	v56 =	vld [tilespmem:s20+$0x0];
	v17 =	vshll.u32 v50, $0x10;
	v5 =	vsel vm1, v51, v6;
	v55 =	vsel vm2, v46, v50  }
0x74: {  	s21 =	spop (v2sf);
	vm1 =	vgt.s32 v52, v17;
	vm2 =	vgt.s32 v47, v54;
	v57 =	vshll.u32 v54, $0x10  }
0x75: {  	v58 =	vld [tilespmem:s21+$0x0];
	v7 =	vsel vm1, v52, v17;
	v11 =	vsel vm2, v47, v54;
	vm1 =	vgt.s32 v53, v57  }
0x76: {  	vm2 =	vgt.s32 v48, v16;
	v59 =	vshll.u32 v16, $0x10;
	s22 =	spop (v2sf);
	(v2sf) =	vpush v3, $0x8  }
0x77: {  	v8 =	vsel vm1, v53, v57;
	v10 =	vsel vm2, v48, v16;
	vm1 =	vgt.s32 v15, v59  }
0x78: {  	vm2 =	vgt.s32 v12, v56;
	v61 =	vshll.u32 v56, $0x10;
	v60 =	vld [tilespmem:s22+$0x0];
	s23 =	spop (v2sf);
	(v2sf) =	vpush v4, $0x9  }
0x79: {  	v15 =	vsel vm1, v15, v59;
	v9 =	vsel vm2, v12, v56;
	v62 =	vld [tilespmem:s23+$0x0];
	(v2sf) =	vpush v3, $0x9  }
0x7a: {  	vm1 =	vgt.s32 v5, v61;
	v63 =	vshll.u32 v58, $0x10;
	s24 =	spop (v2sf);
	(v2sf) =	vpush v4, $0xA  }
0x7b: {  	v5 =	vsel vm1, v5, v61;
	vm1 =	vgt.s32 v55, v58;
	vm2 =	vgt.s32 v7, v63  }
0x7c: {  	v6 =	vsel vm1, v55, v58;
	v7 =	vsel vm2, v7, v63;
	v20 =	vld [tilespmem:s24+$0x0];
	s25 =	spop (v2sf);
	(v2sf) =	vpush v3, $0xA  }
0x7d: {  	v21 =	vshll.u32 v60, $0x10;
	vm1 =	vgt.s32 v11, v60;
	s26 =	spop (v2sf);
	(v2sf) =	vpush v4, $0xB  }
0x7e: {  	v22 =	vld [tilespmem:s25+$0x0];
	vm2 =	vgt.s32 v8, v21;
	v11 =	vsel vm1, v11, v60;
	vm1 =	vgt.s32 v10, v62  }
0x7f: {  	v12 =	vshll.u32 v62, $0x10;
	v23 =	vld [tilespmem:s26+$0x0];
	s28 =	spop (v2sf);
	(v2sf) =	vpush v3, $0xB;
	v8 =	vsel vm2, v8, v21  }
0x80: {  	v10 =	vsel vm1, v10, v62;
	vm1 =	vgt.s32 v15, v12;
	(v2sf) =	vpush v4, $0xC  }
0x81: {  	v25 =	vld [tilespmem:s28+$0x0];
	vm2 =	vgt.s32 v9, v20;
	v12 =	vsel vm1, v15, v12;
	v24 =	vshll.u32 v20, $0x10  }
0x82: {  	s29 =	spop (v2sf);
	(v2sf) =	vpush v3, $0xC;
	v9 =	vsel vm2, v9, v20;
	vm1 =	vgt.s32 v5, v24  }
0x83: {  	v27 =	vld [tilespmem:s29+$0x0];
	v26 =	vshll.u32 v22, $0x10;
	v5 =	vsel vm1, v5, v24;
	vm1 =	vgt.s32 v6, v22  }
0x84: {  	vm2 =	vgt.s32 v7, v26;
	v6 =	vsel vm1, v6, v22;
	vm1 =	vgt.s32 v11, v23  }
0x85: {  	v28 =	vshll.u32 v23, $0x10;
	v7 =	vsel vm2, v7, v26;
	s30 =	spop (v2sf);
	(v2sf) =	vpush v4, $0xD  }
0x86: {  	v11 =	vsel vm1, v11, v23;
	vm1 =	vgt.s32 v8, v28;
	v29 =	vshll.u32 v25, $0x10;
	v30 =	vld [tilespmem:s30+$0x0]  }
0x87: {  	vm2 =	vgt.s32 v10, v25;
	vm3 =	vgt.s32 v12, v29;
	s31 =	spop (v2sf);
	(v2sf) =	vpush v3, $0xD  }
0x88: {  	v8 =	vsel vm1, v8, v28;
	v10 =	vsel vm2, v10, v25;
	vm1 =	vgt.s32 v9, v27;
	v31 =	vld [tilespmem:s31+$0x0];
	s17 =	spop (v2sf)  }
0x89: {  	v32 =	vshll.u32 v27, $0x10;
	v12 =	vsel vm3, v12, v29;
	(v2sf) =	vpush v4, $0xE;
	v33 =	vld [tilespmem:s17+$0x0];
	s18 =	spop (v2sf)  }
0x8a: {  	v9 =	vsel vm1, v9, v27;
	vm1 =	vgt.s32 v5, v32;
	(v2sf) =	vpush v3, $0xE;
	v35 =	vld [tilespmem:s18+$0x0]  }
0x8b: {  	v5 =	vsel vm1, v5, v32;
	s19 =	spop (v2sf);
	vm1 =	vgt.s32 v6, v30;
	v34 =	vshll.u32 v30, $0x10  }
0x8c: {  	(v2sf) =	vpush v4, $0xF;
	v38 =	vld [tilespmem:s19+$0x0];
	v6 =	vsel vm1, v6, v30;
	vm1 =	vgt.s32 v7, v34  }
0x8d: {  	s20 =	spop (v2sf);
	(v2sf) =	vpush v3, $0xF;
	v36 =	vsel vm1, v7, v34;
	vm1 =	vgt.s32 v11, v31  }
0x8e: {  	v37 =	vshll.u32 v31, $0x10;
	s21 =	spop (v2sf);
	v41 =	vld [tilespmem:s20+$0x0];
	v40 =	vshll.u32 v33, $0x10;
	v11 =	vsel vm1, v11, v31  }
0x8f: {  	v42 =	vld [tilespmem:s21+$0x0];
	vm1 =	vgt.s32 v8, v37;
	vm2 =	vgt.s32 v9, v35;
	v43 =	vshll.u32 v35, $0x10  }
0x90: {  	s22 =	spop (v2sf);
	v39 =	vsel vm1, v8, v37;
	vm1 =	vgt.s32 v10, v33;
	v9 =	vsel vm2, v9, v35  }
0x91: {  	v45 =	vld [tilespmem:s22+$0x0];
	v10 =	vsel vm1, v10, v33;
	vm1 =	vgt.s32 v12, v40;
	vm2 =	vgt.s32 v6, v38  }
0x92: {  	v44 =	vshll.u32 v38, $0x10;
	v7 =	vsel vm1, v12, v40;
	vm1 =	vgt.s32 v5, v43  }
0x93: {  	s23 =	spop (v2sf);
	v6 =	vsel vm2, v6, v38;
	v46 =	vshll.u32 v41, $0x10;
	v5 =	vsel vm1, v5, v43  }
0x94: {  	v47 =	vld [tilespmem:s23+$0x0];
	vm1 =	vgt.s32 v36, v44;
	vm2 =	vgt.s32 v10, v42;
	v49 =	vshll.u32 v42, $0x10;
	s24 =	spop (v2sf)  }
0x95: {  	v4 =	vsel vm1, v36, v44;
	vm1 =	vgt.s32 v11, v41;
	v10 =	vsel vm2, v10, v42;
	v48 =	vld [tilespmem:s24+$0x0]  }
0x96: {  	vm2 =	vgt.s32 v9, v45;
	v8 =	vsel vm1, v11, v41;
	vm1 =	vgt.s32 v39, v46;
	s25 =	spop (v2sf)  }
0x97: {  	v50 =	vshll.u32 v45, $0x10;
	v3 =	vsel vm1, v39, v46;
	vm1 =	vgt.s32 v7, v49;
	v51 =	vld [tilespmem:s25+$0x0]  }
0x98: {  	v9 =	vsel vm2, v9, v45;
	s26 =	spop (v2sf);
	v7 =	vsel vm1, v7, v49;
	vm1 =	vgt.s32 v5, v50  }
0x99: {  	v52 =	vshll.u32 v47, $0x10;
	s28 =	spop (v2sf);
	v5 =	vsel vm1, v5, v50;
	vm1 =	vgt.s32 v6, v47;
	v53 =	vld [tilespmem:s26+$0x0]  }
0x9a: {  	v6 =	vsel vm1, v6, v47;
	vm1 =	vgt.s32 v4, v52;
	v54 =	vld [tilespmem:s28+$0x0];
	vm2 =	vgt.s32 v8, v48  }
0x9b: {  	s29 =	spop (v2sf);
	v4 =	vsel vm1, v4, v52;
	v11 =	vshll.u32 v48, $0x10;
	v8 =	vsel vm2, v8, v48  }
0x9c: {  	v56 =	vld [tilespmem:s29+$0x0];
	vm1 =	vgt.s32 v3, v11;
	vm2 =	vgt.s32 v10, v51;
	v55 =	vshll.u32 v51, $0x10  }
0x9d: {  	s30 =	spop (v2sf);
	v3 =	vsel vm1, v3, v11;
	v10 =	vsel vm2, v10, v51;
	vm1 =	vgt.s32 v7, v55  }
0x9e: {  	v58 =	vld [tilespmem:s30+$0x0];
	v57 =	vshll.u32 v53, $0x10;
	v7 =	vsel vm1, v7, v55;
	vm1 =	vgt.s32 v9, v53  }
0x9f: {  	vm2 =	vgt.s32 v6, v54;
	v9 =	vsel vm1, v9, v53;
	vm1 =	vgt.s32 v5, v57  }
0xa0: {  	v59 =	vshll.u32 v54, $0x10;
	v6 =	vsel vm2, v6, v54;
	v5 =	vsel vm1, v5, v57  }
0xa1: {  	vm1 =	vgt.s32 v4, v59;
	vm2 =	vgt.s32 v8, v56;
	v60 =	vshll.u32 v56, $0x10  }
0xa2: {  	v4 =	vsel vm1, v4, v59;
	v8 =	vsel vm2, v8, v56;
	vm1 =	vgt.s32 v3, v60  }
0xa3: {  	v61 =	vshll.u32 v58, $0x10;
	v3 =	vsel vm1, v3, v60;
	vm1 =	vgt.s32 v10, v58  }
0xa4: {  	vm2 =	vgt.s32 v9, v6;
	v10 =	vsel vm1, v10, v58;
	vm1 =	vgt.s32 v7, v61  }
0xa5: {  	v6 =	vsel vm2, v9, v6;
	v7 =	vsel vm1, v7, v61;
	vm1 =	vgt.s32 v8, v10  }
0xa6: {  	v8 =	vsel vm1, v8, v10;
	vm1 =	vgt.s32 v5, v4;
	vm2 =	vgt.s32 v3, v7  }
0xa7: {  	v4 =	vsel vm1, v5, v4;
	vm1 =	vgt.s32 v1, v2;
	v3 =	vsel vm2, v3, v7  }
0xa8: {  	p0 =	sne.s32 s14, $0x1FC0;
	v1 =	vsel vm1, v1, v2;
	vm1 =	vgt.s32 v6, v8;
	vm2 =	vgt.s32 v4, v3  }
.Ltmp0:
0xa9: {  	v0 =	vand.u32 $0xFFFF0000, v0;
	v62 =	vsel vm1, v6, v8;
	v3 =	vsel vm2, v4, v3;
	(pc) =	sbr.rel @p0 .LBB2_3-.Ltmp0, $4  }
0xaa: {  	v1 =	vshrl.u32 v1, $0x10;
	v2 =	vand.u32 $0xFFFF0000, v62;
	v3 =	vshrl.u32 v3, $0x10  }
0xab: {  	v0 =	vor.u32 v0, v1;
	v63 =	vor.u32 v2, v3  }
0xac: {  	s31 =	sshra.s32 s14, $0x2;
	v0 =	vsel vm0, v0, v63  }
0xad: {  	s15 =	sadd.s32 $0x40, s15;
	s14 =	sadd.s32 $0x40, s14;
	[tilespmem:s31+$0x16080] =	vst v0  }
0xae: {  	s14 =	sshll.u32 s13, $0xB  }
0xaf: {  	s13 =	sadd.s32 $0x1, s13;
	s14 =	sadd.s32 s14, s7  }
0xb0: {  	p0 =	sne.s32 s13, $0xA;
	s14 =	sshrl.u32 s14, $0x3  }
.Ltmp1:
0xb1: {  	s14 =	sadd.s32 s4, s14;
	(pc) =	sbr.rel @p0 .LBB2_2-.Ltmp1, $4  }
0xb2: {  	[hbm4b:s14+s2] =	stream.linear.scatter [tilespmem:s11], [sflag:$0x1], $0x800, $0x38;
	[tilespmem:$0x16880] =	vst v63  }
0xb3: {  	_ =	swait.ge [sflag:s9], $0x800  }
0xb4: {  	[sflag:s9] =	ssyncset.done $0x0  }
0xb5: {  	[sflag:s9] =	ssyncadd.s32 $0xFFFFF800  }
0xb6: {  	s12 =	sadd.s32 $0x1, s12  }
0xb7: {  	p0 =	sne.s32 s12, s8  }
.Ltmp2:
0xb8: {  	_ = 	snop;
	(pc) =	sbr.rel @p0 .LBB2_1-.Ltmp2, $1  }
0xb9: {  	_ =	sdelay $0x3  }
0xba: {  	_ =	sfence.sel $0x180000  }
0xbb: {  	[bflag:$0x0] =	sbarrier.arrive $0xFFFF  }
0xbc: {  	p0 =	sne.s32 s1, $0x0;
	_ =	strace $0x90000047  }
0xbd: {  	s0 =	sadd.s32 @!p0 $0x100000, s0;
	[bflag:$0x2] =	sbarrier.arrive $0xFFFF  }
0xbe: {  	[sflag:s0] =	ssyncadd.tile.s32 @!p0 $0x1;
	_ =	shalt  }
.Lfunc_end2:
_tile_overlayer_lowered:
.L_overlay_start_2:
0xbf: {  	(tag) =	ssettag $0x2  }
0xc0: {  	s0 =	rddreg [dreg:$0x0];
	s2 =	stileid.u32  }
0xc1: {  	s1 =	rddreg [dreg:$0x1];
	p0 =	sne.s32 s2, $0x0  }
0xc2: {  	s3 =	rddreg [dreg:$0x2];
	[bflag:$0x3] =	sbarrier.arrive $0xFFFF;
	s2 =	simm.s32 @!p0 $0x1C01  }
0xc3: {  	[timem:s3], [sflag:s2] =	dma.local @!p0 [hbm:s0], s1  }
0xc4: {  	s0 =	simm.s32 @!p0 $0x1  }
0xc5: {  	_ =	swait.ge @!p0 [sflag:s0], s1  }
0xc6: {  	s1 =	ssub.s32 @!p0 $0x0, s1;
	[sflag:s0] =	ssyncset.done @!p0 $0x0  }
0xc7: {  	[sflag:s0] =	ssyncadd.s32 @!p0 s1  }
0xc8: {  	[bflag:$0x3] =	sbarrier.arrive $0xFFFF  }
0xc9: {  	_ =	shalt  }

</sc_bundles>
